<compile_context>
chip_gen: v7x
topology: tpu7x:2x2x1
jax: 0.10.2.dev20260603
libtpu: 0.0.44.dev20260713+nightly
codegen_flags: <defaults>
</compile_context>

<pallas_src>
import functools

import jax
import jax.numpy as jnp
from jax import lax
from jax.experimental import pallas as pl
from jax.experimental.pallas import tpu as pltpu
from jax.experimental.pallas import tpu_sc as plsc

_ROWS = 1000000
_BATCH = 16384
_DIM = 64
_LANES = 16
_NC = 2
_NS = 16
_NW = _NC * _NS
_B_PER_W = _BATCH // _NW
_GSZ = 4
_NG = _B_PER_W // _GSZ

_mesh = plsc.VectorSubcoreMesh(core_axis_name="c", subcore_axis_name="s")


def _embed_gather_body(idx_hbm, table_hbm, out_hbm, idx_v, cols_v, out_v, sem):
    wid = lax.axis_index("s") * _NC + lax.axis_index("c")
    base = wid * _B_PER_W
    pltpu.sync_copy(idx_hbm.at[pl.ds(base, _B_PER_W)], idx_v.at[pl.ds(0, _B_PER_W)])

    lane = lax.iota(jnp.int32, _LANES)
    f1_vecs = [(16 * k + lane) >> 3 for k in range(4)]
    f2_vecs = [(16 * k + lane) & 7 for k in range(4)]

    def fire(g, buf):
        rt = (idx_v[pl.ds(g * _GSZ, _LANES)] - 1) >> 7
        for j in range(_GSZ):
            pltpu.async_copy(
                table_hbm.at[:, :, pl.ds(pl.multiple_of(rt[j] * 128, 128), 128)],
                cols_v.at[buf * _GSZ + j],
                sem,
            )

    def extract(g, buf):
        w = (idx_v[pl.ds(g * _GSZ, _LANES)] - 1) & 127
        for j in range(_GSZ):
            pltpu.make_async_copy(
                table_hbm.at[:, :, pl.ds(0, 128)],
                cols_v.at[buf * _GSZ + j],
                sem,
            ).wait()
        for j in range(_GSZ):
            slot = jnp.full((_LANES,), buf * _GSZ + j, jnp.int32)
            wj = jnp.full((_LANES,), w[j], jnp.int32)
            pos = jnp.full((_LANES,), g * _GSZ + j, jnp.int32)
            for k in range(4):
                x = plsc.load_gather(cols_v, [slot, f1_vecs[k], f2_vecs[k], wj])
                plsc.store_scatter(out_v, [f1_vecs[k], f2_vecs[k], pos], x)

    fire(0, 0)

    def pipelined(g, _):
        fire(g, g & 1)
        extract(g - 1, (g - 1) & 1)
        return _

    jax.lax.fori_loop(1, _NG, pipelined, None)
    extract(_NG - 1, (_NG - 1) & 1)

    for f1 in range(8):
        pltpu.sync_copy(out_v.at[f1], out_hbm.at[f1, :, pl.ds(base, _B_PER_W)])


_embed_gather = functools.partial(
    pl.kernel,
    mesh=_mesh,
    out_type=jax.ShapeDtypeStruct((8, 8, _BATCH), jnp.float32),
    scratch_types=[
        pltpu.VMEM((_B_PER_W + _LANES - _GSZ,), jnp.int32),
        pltpu.VMEM((2 * _GSZ, 8, 8, 128), jnp.float32),
        pltpu.VMEM((8, 8, _B_PER_W), jnp.float32),
        pltpu.SemaphoreType.DMA,
    ],
    compiler_params=pltpu.CompilerParams(needs_layout_passes=False),
)(_embed_gather_body)


def kernel(action, embedding):
    table3 = embedding.T.reshape(8, 8, _ROWS)
    out3 = _embed_gather(action.astype(jnp.int32), table3)
    return out3.reshape(_DIM, _BATCH).T

# --- scband reference (transcript-rebuilt; emitter-appended) ---
"""Pipeline reference for scband-connect4-action-embedder-90847148245390 (READ-ONLY COPY).

The authoritative reference and input builder live on the scoring server;
editing this copy changes nothing except your own understanding.
"""

import jax, jax.numpy as jnp
import numpy as np

NUM_ACTIONS = 1000000
EMBED_DIM = 64
BATCH = 16384


def setup_inputs(seed: int = 0) -> dict:
    key = jax.random.key(seed)
    k1, k2 = jax.random.split(key)
    # action values are 1-indexed in the original module: valid range [1, NUM_ACTIONS]
    action = jax.random.randint(k1, (BATCH,), 1, NUM_ACTIONS + 1)
    embedding = jax.random.normal(k2, (NUM_ACTIONS, EMBED_DIM), dtype=jnp.float32) * 0.02
    return {"action": action, "embedding": embedding}


def reference(action, embedding):
    # Faithful translation of Connect4ActionEmbedder.forward:
    #   return self.embedding(action - 1)
    return jnp.take(embedding, action - 1, axis=0)

if __name__ == "__main__":
    import jax
    _d = setup_inputs()
    print(jax.jit(kernel)(*tuple(_d.values())))

</pallas_src>

<mosaic_0001>
#map = affine_map<(d0, d1) -> (0)>
#map1 = affine_map<(d0, d1) -> (0, 0, 0)>
module attributes {stable_mosaic.version = 14 : i64} {
  func.func @_embed_gather_body(%arg0: i32, %arg1: i32, %arg2: memref<16384xi32, #tpu.memory_space<hbm>>, %arg3: memref<8x8x1000000xf32, #tpu.memory_space<hbm>>, %arg4: memref<8x8x16384xf32, #tpu.memory_space<hbm>>, %arg5: memref<524xi32, #tpu.memory_space<vmem>>, %arg6: memref<8x8x8x128xf32, #tpu.memory_space<vmem>>, %arg7: memref<8x8x512xf32, #tpu.memory_space<vmem>>, %arg8: memref<!tpu.dma_semaphore, #tpu.memory_space<semaphore_mem>>) attributes {dimension_semantics = [#tpu.dimension_semantics<core_parallel>, #tpu.dimension_semantics<subcore_parallel>], iteration_bounds = array<i64: 2, 16>, scalar_prefetch = 0 : i64, scratch_operands = 4 : i64, tpu.core_type = #tpu.core_type<sc_vector_subcore>, window_params = [{transform_indices = #map}, {transform_indices = #map1}, {transform_indices = #map1}]} {
    %mul3A = arith.constant 2 : i32
    %mul3A_0 = arith.muli %arg1, %mul3A : i32
    %add3A = arith.addi %mul3A_0, %arg0 : i32
    %mul3A_1 = arith.constant 512 : i32
    %mul3A_2 = arith.muli %add3A, %mul3A_1 : i32
    "tpu.region"() ({
      %run_scoped3A_283 = tpu.sem_alloc : memref<!tpu.dma_semaphore, #tpu.memory_space<semaphore_mem>>
      %dma_start3A_284 = arith.constant 0 : i32
      %dma_start3A_285 = tpu.memref_slice %arg5[%dma_start3A_284] : memref<524xi32, #tpu.memory_space<vmem>> -> memref<512xi32, #tpu.memory_space<vmem>>
      %dma_start3A_286 = tpu.memref_slice %arg2[%mul3A_2] : memref<16384xi32, #tpu.memory_space<hbm>> -> memref<512xi32, #tpu.memory_space<hbm>>
      %dma_start3A_287 = arith.constant 0 : i32
      %dma_start3A_288 = tpu.memref_slice %arg5[%dma_start3A_287] : memref<524xi32, #tpu.memory_space<vmem>> -> memref<512xi32, #tpu.memory_space<vmem>>
      %dma_start3A_289 = tpu.memref_slice %arg2[%mul3A_2] : memref<16384xi32, #tpu.memory_space<hbm>> -> memref<512xi32, #tpu.memory_space<hbm>>
      tpu.enqueue_dma source(%dma_start3A_289 : memref<512xi32, #tpu.memory_space<hbm>>) target(%dma_start3A_288 : memref<512xi32, #tpu.memory_space<vmem>>) target_semaphore(%run_scoped3A_283 : memref<!tpu.dma_semaphore, #tpu.memory_space<semaphore_mem>>)
      %dma_wait3A_290 = arith.constant 0 : i32
      %dma_wait3A_291 = tpu.memref_slice %arg5[%dma_wait3A_290] : memref<524xi32, #tpu.memory_space<vmem>> -> memref<512xi32, #tpu.memory_space<vmem>>
      %dma_wait3A_292 = tpu.memref_slice %arg2[%mul3A_2] : memref<16384xi32, #tpu.memory_space<hbm>> -> memref<512xi32, #tpu.memory_space<hbm>>
      %dma_wait3A_293 = arith.constant 0 : i32
      %dma_wait3A_294 = tpu.memref_slice %arg5[%dma_wait3A_293] : memref<524xi32, #tpu.memory_space<vmem>> -> memref<512xi32, #tpu.memory_space<vmem>>
      %dma_wait3A_295 = tpu.memref_slice %arg2[%mul3A_2] : memref<16384xi32, #tpu.memory_space<hbm>> -> memref<512xi32, #tpu.memory_space<hbm>>
      tpu.wait_dma2 semaphore(%run_scoped3A_283 : memref<!tpu.dma_semaphore, #tpu.memory_space<semaphore_mem>>) src(%dma_wait3A_295 : memref<512xi32, #tpu.memory_space<hbm>>) dst(%dma_wait3A_294 : memref<512xi32, #tpu.memory_space<vmem>>)
      tpu.yield
    }) : () -> ()
    %iota3A = tpu.iota {dimensions = array<i32: 0>} : vector<16xi32>
    %add3A_3 = arith.constant 0 : i32
    %add3A_4 = vector.broadcast %add3A_3 : i32 to vector<16xi32>
    %add3A_5 = arith.addi %add3A_4, %iota3A : vector<16xi32>
    %shift_right_arithmetic3A = arith.constant 3 : i32
    %shift_right_arithmetic3A_6 = vector.broadcast %shift_right_arithmetic3A : i32 to vector<16xi32>
    %shift_right_arithmetic3A_7 = arith.shrsi %add3A_5, %shift_right_arithmetic3A_6 : vector<16xi32>
    %add3A_8 = arith.constant 16 : i32
    %add3A_9 = vector.broadcast %add3A_8 : i32 to vector<16xi32>
    %add3A_10 = arith.addi %add3A_9, %iota3A : vector<16xi32>
    %shift_right_arithmetic3A_11 = arith.constant 3 : i32
    %shift_right_arithmetic3A_12 = vector.broadcast %shift_right_arithmetic3A_11 : i32 to vector<16xi32>
    %shift_right_arithmetic3A_13 = arith.shrsi %add3A_10, %shift_right_arithmetic3A_12 : vector<16xi32>
    %add3A_14 = arith.constant 32 : i32
    %add3A_15 = vector.broadcast %add3A_14 : i32 to vector<16xi32>
    %add3A_16 = arith.addi %add3A_15, %iota3A : vector<16xi32>
    %shift_right_arithmetic3A_17 = arith.constant 3 : i32
    %shift_right_arithmetic3A_18 = vector.broadcast %shift_right_arithmetic3A_17 : i32 to vector<16xi32>
    %shift_right_arithmetic3A_19 = arith.shrsi %add3A_16, %shift_right_arithmetic3A_18 : vector<16xi32>
    %add3A_20 = arith.constant 48 : i32
    %add3A_21 = vector.broadcast %add3A_20 : i32 to vector<16xi32>
    %add3A_22 = arith.addi %add3A_21, %iota3A : vector<16xi32>
    %shift_right_arithmetic3A_23 = arith.constant 3 : i32
    %shift_right_arithmetic3A_24 = vector.broadcast %shift_right_arithmetic3A_23 : i32 to vector<16xi32>
    %shift_right_arithmetic3A_25 = arith.shrsi %add3A_22, %shift_right_arithmetic3A_24 : vector<16xi32>
    %add3A_26 = arith.constant 0 : i32
    %add3A_27 = vector.broadcast %add3A_26 : i32 to vector<16xi32>
    %add3A_28 = arith.addi %add3A_27, %iota3A : vector<16xi32>
    %and3A = arith.constant 7 : i32
    %and3A_29 = vector.broadcast %and3A : i32 to vector<16xi32>
    %and3A_30 = arith.andi %add3A_28, %and3A_29 : vector<16xi32>
    %add3A_31 = arith.constant 16 : i32
    %add3A_32 = vector.broadcast %add3A_31 : i32 to vector<16xi32>
    %add3A_33 = arith.addi %add3A_32, %iota3A : vector<16xi32>
    %and3A_34 = arith.constant 7 : i32
    %and3A_35 = vector.broadcast %and3A_34 : i32 to vector<16xi32>
    %and3A_36 = arith.andi %add3A_33, %and3A_35 : vector<16xi32>
    %add3A_37 = arith.constant 32 : i32
    %add3A_38 = vector.broadcast %add3A_37 : i32 to vector<16xi32>
    %add3A_39 = arith.addi %add3A_38, %iota3A : vector<16xi32>
    %and3A_40 = arith.constant 7 : i32
    %and3A_41 = vector.broadcast %and3A_40 : i32 to vector<16xi32>
    %and3A_42 = arith.andi %add3A_39, %and3A_41 : vector<16xi32>
    %add3A_43 = arith.constant 48 : i32
    %add3A_44 = vector.broadcast %add3A_43 : i32 to vector<16xi32>
    %add3A_45 = arith.addi %add3A_44, %iota3A : vector<16xi32>
    %and3A_46 = arith.constant 7 : i32
    %and3A_47 = vector.broadcast %and3A_46 : i32 to vector<16xi32>
    %and3A_48 = arith.andi %add3A_45, %and3A_47 : vector<16xi32>
    %get3A = arith.constant 0 : index
    %get3A_49 = tpu.vector_load %arg5[%get3A] {strides = array<i32>} : memref<524xi32, #tpu.memory_space<vmem>>, vector<16xi32>,
    %sub3A = arith.constant 1 : i32
    %sub3A_50 = vector.broadcast %sub3A : i32 to vector<16xi32>
    %sub3A_51 = arith.subi %get3A_49, %sub3A_50 : vector<16xi32>
    %shift_right_arithmetic3A_52 = arith.constant 7 : i32
    %shift_right_arithmetic3A_53 = vector.broadcast %shift_right_arithmetic3A_52 : i32 to vector<16xi32>
    %shift_right_arithmetic3A_54 = arith.shrsi %sub3A_51, %shift_right_arithmetic3A_53 : vector<16xi32>
    %slice3A = vector.extract_strided_slice %shift_right_arithmetic3A_54 {offsets = [0], sizes = [1], strides = [1]} : vector<16xi32> to vector<1xi32>
    %squeeze3A = vector.extract %slice3A[0] : i32 from vector<1xi32>
    %mul3A_55 = arith.constant 128 : i32
    %mul3A_56 = arith.muli %squeeze3A, %mul3A_55 : i32
    %multiple_of3A = tpu.assume_multiple %mul3A_56, 128 : i32
    %dma_start3A = arith.constant 0 : i32
    %dma_start3A_57 = arith.constant 0 : i32
    %dma_start3A_58 = arith.constant 0 : i32
    %dma_start3A_59 = arith.constant 0 : i32
    %dma_start3A_60 = tpu.memref_slice %arg6[%dma_start3A, %dma_start3A_57, %dma_start3A_58, %dma_start3A_59] : memref<8x8x8x128xf32, #tpu.memory_space<vmem>> -> memref<1x8x8x128xf32, #tpu.memory_space<vmem>>
    %dma_start3A_61 = tpu.memref_squeeze %dma_start3A_60 : memref<1x8x8x128xf32, #tpu.memory_space<vmem>> -> memref<8x8x128xf32, #tpu.memory_space<vmem>>
    %dma_start3A_62 = arith.constant 0 : i32
    %dma_start3A_63 = arith.constant 0 : i32
    %dma_start3A_64 = tpu.memref_slice %arg3[%dma_start3A_62, %dma_start3A_63, %multiple_of3A] : memref<8x8x1000000xf32, #tpu.memory_space<hbm>> -> memref<8x8x128xf32, #tpu.memory_space<hbm>>
    %dma_start3A_65 = arith.constant 0 : i32
    %dma_start3A_66 = arith.constant 0 : i32
    %dma_start3A_67 = arith.constant 0 : i32
    %dma_start3A_68 = tpu.memref_slice %arg6[%dma_start3A, %dma_start3A_65, %dma_start3A_66, %dma_start3A_67] : memref<8x8x8x128xf32, #tpu.memory_space<vmem>> -> memref<1x8x8x128xf32, #tpu.memory_space<vmem>>
    %dma_start3A_69 = tpu.memref_squeeze %dma_start3A_68 : memref<1x8x8x128xf32, #tpu.memory_space<vmem>> -> memref<8x8x128xf32, #tpu.memory_space<vmem>>
    %dma_start3A_70 = arith.constant 0 : i32
    %dma_start3A_71 = arith.constant 0 : i32
    %dma_start3A_72 = tpu.memref_slice %arg3[%dma_start3A_70, %dma_start3A_71, %multiple_of3A] : memref<8x8x1000000xf32, #tpu.memory_space<hbm>> -> memref<8x8x128xf32, #tpu.memory_space<hbm>>
    tpu.enqueue_dma source(%dma_start3A_72 : memref<8x8x128xf32, #tpu.memory_space<hbm>>) target(%dma_start3A_69 : memref<8x8x128xf32, #tpu.memory_space<vmem>>) target_semaphore(%arg8 : memref<!tpu.dma_semaphore, #tpu.memory_space<semaphore_mem>>)
    %slice3A_73 = vector.extract_strided_slice %shift_right_arithmetic3A_54 {offsets = [1], sizes = [1], strides = [1]} : vector<16xi32> to vector<1xi32>
    %squeeze3A_74 = vector.extract %slice3A_73[0] : i32 from vector<1xi32>
    %mul3A_75 = arith.constant 128 : i32
    %mul3A_76 = arith.muli %squeeze3A_74, %mul3A_75 : i32
    %multiple_of3A_77 = tpu.assume_multiple %mul3A_76, 128 : i32
    %dma_start3A_78 = arith.constant 1 : i32
    %dma_start3A_79 = arith.constant 0 : i32
    %dma_start3A_80 = arith.constant 0 : i32
    %dma_start3A_81 = arith.constant 0 : i32
    %dma_start3A_82 = tpu.memref_slice %arg6[%dma_start3A_78, %dma_start3A_79, %dma_start3A_80, %dma_start3A_81] : memref<8x8x8x128xf32, #tpu.memory_space<vmem>> -> memref<1x8x8x128xf32, #tpu.memory_space<vmem>>
    %dma_start3A_83 = tpu.memref_squeeze %dma_start3A_82 : memref<1x8x8x128xf32, #tpu.memory_space<vmem>> -> memref<8x8x128xf32, #tpu.memory_space<vmem>>
    %dma_start3A_84 = arith.constant 0 : i32
    %dma_start3A_85 = arith.constant 0 : i32
    %dma_start3A_86 = tpu.memref_slice %arg3[%dma_start3A_84, %dma_start3A_85, %multiple_of3A_77] : memref<8x8x1000000xf32, #tpu.memory_space<hbm>> -> memref<8x8x128xf32, #tpu.memory_space<hbm>>
    %dma_start3A_87 = arith.constant 0 : i32
    %dma_start3A_88 = arith.constant 0 : i32
    %dma_start3A_89 = arith.constant 0 : i32
    %dma_start3A_90 = tpu.memref_slice %arg6[%dma_start3A_78, %dma_start3A_87, %dma_start3A_88, %dma_start3A_89] : memref<8x8x8x128xf32, #tpu.memory_space<vmem>> -> memref<1x8x8x128xf32, #tpu.memory_space<vmem>>
    %dma_start3A_91 = tpu.memref_squeeze %dma_start3A_90 : memref<1x8x8x128xf32, #tpu.memory_space<vmem>> -> memref<8x8x128xf32, #tpu.memory_space<vmem>>
    %dma_start3A_92 = arith.constant 0 : i32
    %dma_start3A_93 = arith.constant 0 : i32
    %dma_start3A_94 = tpu.memref_slice %arg3[%dma_start3A_92, %dma_start3A_93, %multiple_of3A_77] : memref<8x8x1000000xf32, #tpu.memory_space<hbm>> -> memref<8x8x128xf32, #tpu.memory_space<hbm>>
    tpu.enqueue_dma source(%dma_start3A_94 : memref<8x8x128xf32, #tpu.memory_space<hbm>>) target(%dma_start3A_91 : memref<8x8x128xf32, #tpu.memory_space<vmem>>) target_semaphore(%arg8 : memref<!tpu.dma_semaphore, #tpu.memory_space<semaphore_mem>>)
    %slice3A_95 = vector.extract_strided_slice %shift_right_arithmetic3A_54 {offsets = [2], sizes = [1], strides = [1]} : vector<16xi32> to vector<1xi32>
    %squeeze3A_96 = vector.extract %slice3A_95[0] : i32 from vector<1xi32>
    %mul3A_97 = arith.constant 128 : i32
    %mul3A_98 = arith.muli %squeeze3A_96, %mul3A_97 : i32
    %multiple_of3A_99 = tpu.assume_multiple %mul3A_98, 128 : i32
    %dma_start3A_100 = arith.constant 2 : i32
    %dma_start3A_101 = arith.constant 0 : i32
    %dma_start3A_102 = arith.constant 0 : i32
    %dma_start3A_103 = arith.constant 0 : i32
    %dma_start3A_104 = tpu.memref_slice %arg6[%dma_start3A_100, %dma_start3A_101, %dma_start3A_102, %dma_start3A_103] : memref<8x8x8x128xf32, #tpu.memory_space<vmem>> -> memref<1x8x8x128xf32, #tpu.memory_space<vmem>>
    %dma_start3A_105 = tpu.memref_squeeze %dma_start3A_104 : memref<1x8x8x128xf32, #tpu.memory_space<vmem>> -> memref<8x8x128xf32, #tpu.memory_space<vmem>>
    %dma_start3A_106 = arith.constant 0 : i32
    %dma_start3A_107 = arith.constant 0 : i32
    %dma_start3A_108 = tpu.memref_slice %arg3[%dma_start3A_106, %dma_start3A_107, %multiple_of3A_99] : memref<8x8x1000000xf32, #tpu.memory_space<hbm>> -> memref<8x8x128xf32, #tpu.memory_space<hbm>>
    %dma_start3A_109 = arith.constant 0 : i32
    %dma_start3A_110 = arith.constant 0 : i32
    %dma_start3A_111 = arith.constant 0 : i32
    %dma_start3A_112 = tpu.memref_slice %arg6[%dma_start3A_100, %dma_start3A_109, %dma_start3A_110, %dma_start3A_111] : memref<8x8x8x128xf32, #tpu.memory_space<vmem>> -> memref<1x8x8x128xf32, #tpu.memory_space<vmem>>
    %dma_start3A_113 = tpu.memref_squeeze %dma_start3A_112 : memref<1x8x8x128xf32, #tpu.memory_space<vmem>> -> memref<8x8x128xf32, #tpu.memory_space<vmem>>
    %dma_start3A_114 = arith.constant 0 : i32
    %dma_start3A_115 = arith.constant 0 : i32
    %dma_start3A_116 = tpu.memref_slice %arg3[%dma_start3A_114, %dma_start3A_115, %multiple_of3A_99] : memref<8x8x1000000xf32, #tpu.memory_space<hbm>> -> memref<8x8x128xf32, #tpu.memory_space<hbm>>
    tpu.enqueue_dma source(%dma_start3A_116 : memref<8x8x128xf32, #tpu.memory_space<hbm>>) target(%dma_start3A_113 : memref<8x8x128xf32, #tpu.memory_space<vmem>>) target_semaphore(%arg8 : memref<!tpu.dma_semaphore, #tpu.memory_space<semaphore_mem>>)
    %slice3A_117 = vector.extract_strided_slice %shift_right_arithmetic3A_54 {offsets = [3], sizes = [1], strides = [1]} : vector<16xi32> to vector<1xi32>
    %squeeze3A_118 = vector.extract %slice3A_117[0] : i32 from vector<1xi32>
    %mul3A_119 = arith.constant 128 : i32
    %mul3A_120 = arith.muli %squeeze3A_118, %mul3A_119 : i32
    %multiple_of3A_121 = tpu.assume_multiple %mul3A_120, 128 : i32
    %dma_start3A_122 = arith.constant 3 : i32
    %dma_start3A_123 = arith.constant 0 : i32
    %dma_start3A_124 = arith.constant 0 : i32
    %dma_start3A_125 = arith.constant 0 : i32
    %dma_start3A_126 = tpu.memref_slice %arg6[%dma_start3A_122, %dma_start3A_123, %dma_start3A_124, %dma_start3A_125] : memref<8x8x8x128xf32, #tpu.memory_space<vmem>> -> memref<1x8x8x128xf32, #tpu.memory_space<vmem>>
    %dma_start3A_127 = tpu.memref_squeeze %dma_start3A_126 : memref<1x8x8x128xf32, #tpu.memory_space<vmem>> -> memref<8x8x128xf32, #tpu.memory_space<vmem>>
    %dma_start3A_128 = arith.constant 0 : i32
    %dma_start3A_129 = arith.constant 0 : i32
    %dma_start3A_130 = tpu.memref_slice %arg3[%dma_start3A_128, %dma_start3A_129, %multiple_of3A_121] : memref<8x8x1000000xf32, #tpu.memory_space<hbm>> -> memref<8x8x128xf32, #tpu.memory_space<hbm>>
    %dma_start3A_131 = arith.constant 0 : i32
    %dma_start3A_132 = arith.constant 0 : i32
    %dma_start3A_133 = arith.constant 0 : i32
    %dma_start3A_134 = tpu.memref_slice %arg6[%dma_start3A_122, %dma_start3A_131, %dma_start3A_132, %dma_start3A_133] : memref<8x8x8x128xf32, #tpu.memory_space<vmem>> -> memref<1x8x8x128xf32, #tpu.memory_space<vmem>>
    %dma_start3A_135 = tpu.memref_squeeze %dma_start3A_134 : memref<1x8x8x128xf32, #tpu.memory_space<vmem>> -> memref<8x8x128xf32, #tpu.memory_space<vmem>>
    %dma_start3A_136 = arith.constant 0 : i32
    %dma_start3A_137 = arith.constant 0 : i32
    %dma_start3A_138 = tpu.memref_slice %arg3[%dma_start3A_136, %dma_start3A_137, %multiple_of3A_121] : memref<8x8x1000000xf32, #tpu.memory_space<hbm>> -> memref<8x8x128xf32, #tpu.memory_space<hbm>>
    tpu.enqueue_dma source(%dma_start3A_138 : memref<8x8x128xf32, #tpu.memory_space<hbm>>) target(%dma_start3A_135 : memref<8x8x128xf32, #tpu.memory_space<vmem>>) target_semaphore(%arg8 : memref<!tpu.dma_semaphore, #tpu.memory_space<semaphore_mem>>)
    %scan3A = arith.constant 1 : i32
    %scan3A_139 = arith.constant 127 : i32
    %scan3A_140 = arith.addi %scan3A, %scan3A_139 : i32
    %scan3A_141 = arith.constant 1 : i32
    scf.for %scan3A_283 = %scan3A to %scan3A_140 step %scan3A_141  : i32 {
      %and3A_284 = arith.constant 1 : i32
      %and3A_285 = arith.andi %scan3A_283, %and3A_284 : i32
      %mul3A_286 = arith.constant 4 : i32
      %mul3A_287 = arith.muli %scan3A_283, %mul3A_286 : i32
      %get3A_288 = arith.index_cast %mul3A_287 : i32 to index
      %get3A_289 = tpu.vector_load %arg5[%get3A_288] {strides = array<i32>} : memref<524xi32, #tpu.memory_space<vmem>>, vector<16xi32>,
      %sub3A_290 = arith.constant 1 : i32
      %sub3A_291 = vector.broadcast %sub3A_290 : i32 to vector<16xi32>
      %sub3A_292 = arith.subi %get3A_289, %sub3A_291 : vector<16xi32>
      %shift_right_arithmetic3A_293 = arith.constant 7 : i32
      %shift_right_arithmetic3A_294 = vector.broadcast %shift_right_arithmetic3A_293 : i32 to vector<16xi32>
      %shift_right_arithmetic3A_295 = arith.shrsi %sub3A_292, %shift_right_arithmetic3A_294 : vector<16xi32>
      %slice3A_296 = vector.extract_strided_slice %shift_right_arithmetic3A_295 {offsets = [0], sizes = [1], strides = [1]} : vector<16xi32> to vector<1xi32>
      %squeeze3A_297 = vector.extract %slice3A_296[0] : i32 from vector<1xi32>
      %mul3A_298 = arith.constant 128 : i32
      %mul3A_299 = arith.muli %squeeze3A_297, %mul3A_298 : i32
      %multiple_of3A_300 = tpu.assume_multiple %mul3A_299, 128 : i32
      %mul3A_301 = arith.constant 4 : i32
      %mul3A_302 = arith.muli %and3A_285, %mul3A_301 : i32
      %add3A_303 = arith.constant 0 : i32
      %add3A_304 = arith.addi %mul3A_302, %add3A_303 : i32
      %dma_start3A_305 = arith.constant 0 : i32
      %dma_start3A_306 = arith.constant 0 : i32
      %dma_start3A_307 = arith.constant 0 : i32
      %dma_start3A_308 = tpu.memref_slice %arg6[%add3A_304, %dma_start3A_305, %dma_start3A_306, %dma_start3A_307] : memref<8x8x8x128xf32, #tpu.memory_space<vmem>> -> memref<1x8x8x128xf32, #tpu.memory_space<vmem>>
      %dma_start3A_309 = tpu.memref_squeeze %dma_start3A_308 : memref<1x8x8x128xf32, #tpu.memory_space<vmem>> -> memref<8x8x128xf32, #tpu.memory_space<vmem>>
      %dma_start3A_310 = arith.constant 0 : i32
      %dma_start3A_311 = arith.constant 0 : i32
      %dma_start3A_312 = tpu.memref_slice %arg3[%dma_start3A_310, %dma_start3A_311, %multiple_of3A_300] : memref<8x8x1000000xf32, #tpu.memory_space<hbm>> -> memref<8x8x128xf32, #tpu.memory_space<hbm>>
      %dma_start3A_313 = arith.constant 0 : i32
      %dma_start3A_314 = arith.constant 0 : i32
      %dma_start3A_315 = arith.constant 0 : i32
      %dma_start3A_316 = tpu.memref_slice %arg6[%add3A_304, %dma_start3A_313, %dma_start3A_314, %dma_start3A_315] : memref<8x8x8x128xf32, #tpu.memory_space<vmem>> -> memref<1x8x8x128xf32, #tpu.memory_space<vmem>>
      %dma_start3A_317 = tpu.memref_squeeze %dma_start3A_316 : memref<1x8x8x128xf32, #tpu.memory_space<vmem>> -> memref<8x8x128xf32, #tpu.memory_space<vmem>>
      %dma_start3A_318 = arith.constant 0 : i32
      %dma_start3A_319 = arith.constant 0 : i32
      %dma_start3A_320 = tpu.memref_slice %arg3[%dma_start3A_318, %dma_start3A_319, %multiple_of3A_300] : memref<8x8x1000000xf32, #tpu.memory_space<hbm>> -> memref<8x8x128xf32, #tpu.memory_space<hbm>>
      tpu.enqueue_dma source(%dma_start3A_320 : memref<8x8x128xf32, #tpu.memory_space<hbm>>) target(%dma_start3A_317 : memref<8x8x128xf32, #tpu.memory_space<vmem>>) target_semaphore(%arg8 : memref<!tpu.dma_semaphore, #tpu.memory_space<semaphore_mem>>)
      %slice3A_321 = vector.extract_strided_slice %shift_right_arithmetic3A_295 {offsets = [1], sizes = [1], strides = [1]} : vector<16xi32> to vector<1xi32>
      %squeeze3A_322 = vector.extract %slice3A_321[0] : i32 from vector<1xi32>
      %mul3A_323 = arith.constant 128 : i32
      %mul3A_324 = arith.muli %squeeze3A_322, %mul3A_323 : i32
      %multiple_of3A_325 = tpu.assume_multiple %mul3A_324, 128 : i32
      %mul3A_326 = arith.constant 4 : i32
      %mul3A_327 = arith.muli %and3A_285, %mul3A_326 : i32
      %add3A_328 = arith.constant 1 : i32
      %add3A_329 = arith.addi %mul3A_327, %add3A_328 : i32
      %dma_start3A_330 = arith.constant 0 : i32
      %dma_start3A_331 = arith.constant 0 : i32
      %dma_start3A_332 = arith.constant 0 : i32
      %dma_start3A_333 = tpu.memref_slice %arg6[%add3A_329, %dma_start3A_330, %dma_start3A_331, %dma_start3A_332] : memref<8x8x8x128xf32, #tpu.memory_space<vmem>> -> memref<1x8x8x128xf32, #tpu.memory_space<vmem>>
      %dma_start3A_334 = tpu.memref_squeeze %dma_start3A_333 : memref<1x8x8x128xf32, #tpu.memory_space<vmem>> -> memref<8x8x128xf32, #tpu.memory_space<vmem>>
      %dma_start3A_335 = arith.constant 0 : i32
      %dma_start3A_336 = arith.constant 0 : i32
      %dma_start3A_337 = tpu.memref_slice %arg3[%dma_start3A_335, %dma_start3A_336, %multiple_of3A_325] : memref<8x8x1000000xf32, #tpu.memory_space<hbm>> -> memref<8x8x128xf32, #tpu.memory_space<hbm>>
      %dma_start3A_338 = arith.constant 0 : i32
      %dma_start3A_339 = arith.constant 0 : i32
      %dma_start3A_340 = arith.constant 0 : i32
      %dma_start3A_341 = tpu.memref_slice %arg6[%add3A_329, %dma_start3A_338, %dma_start3A_339, %dma_start3A_340] : memref<8x8x8x128xf32, #tpu.memory_space<vmem>> -> memref<1x8x8x128xf32, #tpu.memory_space<vmem>>
      %dma_start3A_342 = tpu.memref_squeeze %dma_start3A_341 : memref<1x8x8x128xf32, #tpu.memory_space<vmem>> -> memref<8x8x128xf32, #tpu.memory_space<vmem>>
      %dma_start3A_343 = arith.constant 0 : i32
      %dma_start3A_344 = arith.constant 0 : i32
      %dma_start3A_345 = tpu.memref_slice %arg3[%dma_start3A_343, %dma_start3A_344, %multiple_of3A_325] : memref<8x8x1000000xf32, #tpu.memory_space<hbm>> -> memref<8x8x128xf32, #tpu.memory_space<hbm>>
      tpu.enqueue_dma source(%dma_start3A_345 : memref<8x8x128xf32, #tpu.memory_space<hbm>>) target(%dma_start3A_342 : memref<8x8x128xf32, #tpu.memory_space<vmem>>) target_semaphore(%arg8 : memref<!tpu.dma_semaphore, #tpu.memory_space<semaphore_mem>>)
      %slice3A_346 = vector.extract_strided_slice %shift_right_arithmetic3A_295 {offsets = [2], sizes = [1], strides = [1]} : vector<16xi32> to vector<1xi32>
      %squeeze3A_347 = vector.extract %slice3A_346[0] : i32 from vector<1xi32>
      %mul3A_348 = arith.constant 128 : i32
      %mul3A_349 = arith.muli %squeeze3A_347, %mul3A_348 : i32
      %multiple_of3A_350 = tpu.assume_multiple %mul3A_349, 128 : i32
      %mul3A_351 = arith.constant 4 : i32
      %mul3A_352 = arith.muli %and3A_285, %mul3A_351 : i32
      %add3A_353 = arith.constant 2 : i32
      %add3A_354 = arith.addi %mul3A_352, %add3A_353 : i32
      %dma_start3A_355 = arith.constant 0 : i32
      %dma_start3A_356 = arith.constant 0 : i32
      %dma_start3A_357 = arith.constant 0 : i32
      %dma_start3A_358 = tpu.memref_slice %arg6[%add3A_354, %dma_start3A_355, %dma_start3A_356, %dma_start3A_357] : memref<8x8x8x128xf32, #tpu.memory_space<vmem>> -> memref<1x8x8x128xf32, #tpu.memory_space<vmem>>
      %dma_start3A_359 = tpu.memref_squeeze %dma_start3A_358 : memref<1x8x8x128xf32, #tpu.memory_space<vmem>> -> memref<8x8x128xf32, #tpu.memory_space<vmem>>
      %dma_start3A_360 = arith.constant 0 : i32
      %dma_start3A_361 = arith.constant 0 : i32
      %dma_start3A_362 = tpu.memref_slice %arg3[%dma_start3A_360, %dma_start3A_361, %multiple_of3A_350] : memref<8x8x1000000xf32, #tpu.memory_space<hbm>> -> memref<8x8x128xf32, #tpu.memory_space<hbm>>
      %dma_start3A_363 = arith.constant 0 : i32
      %dma_start3A_364 = arith.constant 0 : i32
      %dma_start3A_365 = arith.constant 0 : i32
      %dma_start3A_366 = tpu.memref_slice %arg6[%add3A_354, %dma_start3A_363, %dma_start3A_364, %dma_start3A_365] : memref<8x8x8x128xf32, #tpu.memory_space<vmem>> -> memref<1x8x8x128xf32, #tpu.memory_space<vmem>>
      %dma_start3A_367 = tpu.memref_squeeze %dma_start3A_366 : memref<1x8x8x128xf32, #tpu.memory_space<vmem>> -> memref<8x8x128xf32, #tpu.memory_space<vmem>>
      %dma_start3A_368 = arith.constant 0 : i32
      %dma_start3A_369 = arith.constant 0 : i32
      %dma_start3A_370 = tpu.memref_slice %arg3[%dma_start3A_368, %dma_start3A_369, %multiple_of3A_350] : memref<8x8x1000000xf32, #tpu.memory_space<hbm>> -> memref<8x8x128xf32, #tpu.memory_space<hbm>>
      tpu.enqueue_dma source(%dma_start3A_370 : memref<8x8x128xf32, #tpu.memory_space<hbm>>) target(%dma_start3A_367 : memref<8x8x128xf32, #tpu.memory_space<vmem>>) target_semaphore(%arg8 : memref<!tpu.dma_semaphore, #tpu.memory_space<semaphore_mem>>)
      %slice3A_371 = vector.extract_strided_slice %shift_right_arithmetic3A_295 {offsets = [3], sizes = [1], strides = [1]} : vector<16xi32> to vector<1xi32>
      %squeeze3A_372 = vector.extract %slice3A_371[0] : i32 from vector<1xi32>
      %mul3A_373 = arith.constant 128 : i32
      %mul3A_374 = arith.muli %squeeze3A_372, %mul3A_373 : i32
      %multiple_of3A_375 = tpu.assume_multiple %mul3A_374, 128 : i32
      %mul3A_376 = arith.constant 4 : i32
      %mul3A_377 = arith.muli %and3A_285, %mul3A_376 : i32
      %add3A_378 = arith.constant 3 : i32
      %add3A_379 = arith.addi %mul3A_377, %add3A_378 : i32
      %dma_start3A_380 = arith.constant 0 : i32
      %dma_start3A_381 = arith.constant 0 : i32
      %dma_start3A_382 = arith.constant 0 : i32
      %dma_start3A_383 = tpu.memref_slice %arg6[%add3A_379, %dma_start3A_380, %dma_start3A_381, %dma_start3A_382] : memref<8x8x8x128xf32, #tpu.memory_space<vmem>> -> memref<1x8x8x128xf32, #tpu.memory_space<vmem>>
      %dma_start3A_384 = tpu.memref_squeeze %dma_start3A_383 : memref<1x8x8x128xf32, #tpu.memory_space<vmem>> -> memref<8x8x128xf32, #tpu.memory_space<vmem>>
      %dma_start3A_385 = arith.constant 0 : i32
      %dma_start3A_386 = arith.constant 0 : i32
      %dma_start3A_387 = tpu.memref_slice %arg3[%dma_start3A_385, %dma_start3A_386, %multiple_of3A_375] : memref<8x8x1000000xf32, #tpu.memory_space<hbm>> -> memref<8x8x128xf32, #tpu.memory_space<hbm>>
      %dma_start3A_388 = arith.constant 0 : i32
      %dma_start3A_389 = arith.constant 0 : i32
      %dma_start3A_390 = arith.constant 0 : i32
      %dma_start3A_391 = tpu.memref_slice %arg6[%add3A_379, %dma_start3A_388, %dma_start3A_389, %dma_start3A_390] : memref<8x8x8x128xf32, #tpu.memory_space<vmem>> -> memref<1x8x8x128xf32, #tpu.memory_space<vmem>>
      %dma_start3A_392 = tpu.memref_squeeze %dma_start3A_391 : memref<1x8x8x128xf32, #tpu.memory_space<vmem>> -> memref<8x8x128xf32, #tpu.memory_space<vmem>>
      %dma_start3A_393 = arith.constant 0 : i32
      %dma_start3A_394 = arith.constant 0 : i32
      %dma_start3A_395 = tpu.memref_slice %arg3[%dma_start3A_393, %dma_start3A_394, %multiple_of3A_375] : memref<8x8x1000000xf32, #tpu.memory_space<hbm>> -> memref<8x8x128xf32, #tpu.memory_space<hbm>>
      tpu.enqueue_dma source(%dma_start3A_395 : memref<8x8x128xf32, #tpu.memory_space<hbm>>) target(%dma_start3A_392 : memref<8x8x128xf32, #tpu.memory_space<vmem>>) target_semaphore(%arg8 : memref<!tpu.dma_semaphore, #tpu.memory_space<semaphore_mem>>)
      %sub3A_396 = arith.constant 1 : i32
      %sub3A_397 = arith.subi %scan3A_283, %sub3A_396 : i32
      %sub3A_398 = arith.constant 1 : i32
      %sub3A_399 = arith.subi %scan3A_283, %sub3A_398 : i32
      %and3A_400 = arith.constant 1 : i32
      %and3A_401 = arith.andi %sub3A_399, %and3A_400 : i32
      %mul3A_402 = arith.constant 4 : i32
      %mul3A_403 = arith.muli %sub3A_397, %mul3A_402 : i32
      %get3A_404 = arith.index_cast %mul3A_403 : i32 to index
      %get3A_405 = tpu.vector_load %arg5[%get3A_404] {strides = array<i32>} : memref<524xi32, #tpu.memory_space<vmem>>, vector<16xi32>,
      %sub3A_406 = arith.constant 1 : i32
      %sub3A_407 = vector.broadcast %sub3A_406 : i32 to vector<16xi32>
      %sub3A_408 = arith.subi %get3A_405, %sub3A_407 : vector<16xi32>
      %and3A_409 = arith.constant 127 : i32
      %and3A_410 = vector.broadcast %and3A_409 : i32 to vector<16xi32>
      %and3A_411 = arith.andi %sub3A_408, %and3A_410 : vector<16xi32>
      %mul3A_412 = arith.constant 4 : i32
      %mul3A_413 = arith.muli %and3A_401, %mul3A_412 : i32
      %add3A_414 = arith.constant 0 : i32
      %add3A_415 = arith.addi %mul3A_413, %add3A_414 : i32
      %dma_wait3A_416 = arith.constant 0 : i32
      %dma_wait3A_417 = arith.constant 0 : i32
      %dma_wait3A_418 = arith.constant 0 : i32
      %dma_wait3A_419 = tpu.memref_slice %arg6[%add3A_415, %dma_wait3A_416, %dma_wait3A_417, %dma_wait3A_418] : memref<8x8x8x128xf32, #tpu.memory_space<vmem>> -> memref<1x8x8x128xf32, #tpu.memory_space<vmem>>
      %dma_wait3A_420 = tpu.memref_squeeze %dma_wait3A_419 : memref<1x8x8x128xf32, #tpu.memory_space<vmem>> -> memref<8x8x128xf32, #tpu.memory_space<vmem>>
      %dma_wait3A_421 = arith.constant 0 : i32
      %dma_wait3A_422 = arith.constant 0 : i32
      %dma_wait3A_423 = arith.constant 0 : i32
      %dma_wait3A_424 = tpu.memref_slice %arg3[%dma_wait3A_421, %dma_wait3A_422, %dma_wait3A_423] : memref<8x8x1000000xf32, #tpu.memory_space<hbm>> -> memref<8x8x128xf32, #tpu.memory_space<hbm>>
      %dma_wait3A_425 = arith.constant 0 : i32
      %dma_wait3A_426 = arith.constant 0 : i32
      %dma_wait3A_427 = arith.constant 0 : i32
      %dma_wait3A_428 = tpu.memref_slice %arg6[%add3A_415, %dma_wait3A_425, %dma_wait3A_426, %dma_wait3A_427] : memref<8x8x8x128xf32, #tpu.memory_space<vmem>> -> memref<1x8x8x128xf32, #tpu.memory_space<vmem>>
      %dma_wait3A_429 = tpu.memref_squeeze %dma_wait3A_428 : memref<1x8x8x128xf32, #tpu.memory_space<vmem>> -> memref<8x8x128xf32, #tpu.memory_space<vmem>>
      %dma_wait3A_430 = arith.constant 0 : i32
      %dma_wait3A_431 = arith.constant 0 : i32
      %dma_wait3A_432 = arith.constant 0 : i32
      %dma_wait3A_433 = tpu.memref_slice %arg3[%dma_wait3A_430, %dma_wait3A_431, %dma_wait3A_432] : memref<8x8x1000000xf32, #tpu.memory_space<hbm>> -> memref<8x8x128xf32, #tpu.memory_space<hbm>>
      tpu.wait_dma2 semaphore(%arg8 : memref<!tpu.dma_semaphore, #tpu.memory_space<semaphore_mem>>) src(%dma_wait3A_433 : memref<8x8x128xf32, #tpu.memory_space<hbm>>) dst(%dma_wait3A_429 : memref<8x8x128xf32, #tpu.memory_space<vmem>>)
      %mul3A_434 = arith.constant 4 : i32
      %mul3A_435 = arith.muli %and3A_401, %mul3A_434 : i32
      %add3A_436 = arith.constant 1 : i32
      %add3A_437 = arith.addi %mul3A_435, %add3A_436 : i32
      %dma_wait3A_438 = arith.constant 0 : i32
      %dma_wait3A_439 = arith.constant 0 : i32
      %dma_wait3A_440 = arith.constant 0 : i32
      %dma_wait3A_441 = tpu.memref_slice %arg6[%add3A_437, %dma_wait3A_438, %dma_wait3A_439, %dma_wait3A_440] : memref<8x8x8x128xf32, #tpu.memory_space<vmem>> -> memref<1x8x8x128xf32, #tpu.memory_space<vmem>>
      %dma_wait3A_442 = tpu.memref_squeeze %dma_wait3A_441 : memref<1x8x8x128xf32, #tpu.memory_space<vmem>> -> memref<8x8x128xf32, #tpu.memory_space<vmem>>
      %dma_wait3A_443 = arith.constant 0 : i32
      %dma_wait3A_444 = arith.constant 0 : i32
      %dma_wait3A_445 = arith.constant 0 : i32
      %dma_wait3A_446 = tpu.memref_slice %arg3[%dma_wait3A_443, %dma_wait3A_444, %dma_wait3A_445] : memref<8x8x1000000xf32, #tpu.memory_space<hbm>> -> memref<8x8x128xf32, #tpu.memory_space<hbm>>
      %dma_wait3A_447 = arith.constant 0 : i32
      %dma_wait3A_448 = arith.constant 0 : i32
      %dma_wait3A_449 = arith.constant 0 : i32
      %dma_wait3A_450 = tpu.memref_slice %arg6[%add3A_437, %dma_wait3A_447, %dma_wait3A_448, %dma_wait3A_449] : memref<8x8x8x128xf32, #tpu.memory_space<vmem>> -> memref<1x8x8x128xf32, #tpu.memory_space<vmem>>
      %dma_wait3A_451 = tpu.memref_squeeze %dma_wait3A_450 : memref<1x8x8x128xf32, #tpu.memory_space<vmem>> -> memref<8x8x128xf32, #tpu.memory_space<vmem>>
      %dma_wait3A_452 = arith.constant 0 : i32
      %dma_wait3A_453 = arith.constant 0 : i32
      %dma_wait3A_454 = arith.constant 0 : i32
      %dma_wait3A_455 = tpu.memref_slice %arg3[%dma_wait3A_452, %dma_wait3A_453, %dma_wait3A_454] : memref<8x8x1000000xf32, #tpu.memory_space<hbm>> -> memref<8x8x128xf32, #tpu.memory_space<hbm>>
      tpu.wait_dma2 semaphore(%arg8 : memref<!tpu.dma_semaphore, #tpu.memory_space<semaphore_mem>>) src(%dma_wait3A_455 : memref<8x8x128xf32, #tpu.memory_space<hbm>>) dst(%dma_wait3A_451 : memref<8x8x128xf32, #tpu.memory_space<vmem>>)
      %mul3A_456 = arith.constant 4 : i32
      %mul3A_457 = arith.muli %and3A_401, %mul3A_456 : i32
      %add3A_458 = arith.constant 2 : i32
      %add3A_459 = arith.addi %mul3A_457, %add3A_458 : i32
      %dma_wait3A_460 = arith.constant 0 : i32
      %dma_wait3A_461 = arith.constant 0 : i32
      %dma_wait3A_462 = arith.constant 0 : i32
      %dma_wait3A_463 = tpu.memref_slice %arg6[%add3A_459, %dma_wait3A_460, %dma_wait3A_461, %dma_wait3A_462] : memref<8x8x8x128xf32, #tpu.memory_space<vmem>> -> memref<1x8x8x128xf32, #tpu.memory_space<vmem>>
      %dma_wait3A_464 = tpu.memref_squeeze %dma_wait3A_463 : memref<1x8x8x128xf32, #tpu.memory_space<vmem>> -> memref<8x8x128xf32, #tpu.memory_space<vmem>>
      %dma_wait3A_465 = arith.constant 0 : i32
      %dma_wait3A_466 = arith.constant 0 : i32
      %dma_wait3A_467 = arith.constant 0 : i32
      %dma_wait3A_468 = tpu.memref_slice %arg3[%dma_wait3A_465, %dma_wait3A_466, %dma_wait3A_467] : memref<8x8x1000000xf32, #tpu.memory_space<hbm>> -> memref<8x8x128xf32, #tpu.memory_space<hbm>>
      %dma_wait3A_469 = arith.constant 0 : i32
      %dma_wait3A_470 = arith.constant 0 : i32
      %dma_wait3A_471 = arith.constant 0 : i32
      %dma_wait3A_472 = tpu.memref_slice %arg6[%add3A_459, %dma_wait3A_469, %dma_wait3A_470, %dma_wait3A_471] : memref<8x8x8x128xf32, #tpu.memory_space<vmem>> -> memref<1x8x8x128xf32, #tpu.memory_space<vmem>>
      %dma_wait3A_473 = tpu.memref_squeeze %dma_wait3A_472 : memref<1x8x8x128xf32, #tpu.memory_space<vmem>> -> memref<8x8x128xf32, #tpu.memory_space<vmem>>
      %dma_wait3A_474 = arith.constant 0 : i32
      %dma_wait3A_475 = arith.constant 0 : i32
      %dma_wait3A_476 = arith.constant 0 : i32
      %dma_wait3A_477 = tpu.memref_slice %arg3[%dma_wait3A_474, %dma_wait3A_475, %dma_wait3A_476] : memref<8x8x1000000xf32, #tpu.memory_space<hbm>> -> memref<8x8x128xf32, #tpu.memory_space<hbm>>
      tpu.wait_dma2 semaphore(%arg8 : memref<!tpu.dma_semaphore, #tpu.memory_space<semaphore_mem>>) src(%dma_wait3A_477 : memref<8x8x128xf32, #tpu.memory_space<hbm>>) dst(%dma_wait3A_473 : memref<8x8x128xf32, #tpu.memory_space<vmem>>)
      %mul3A_478 = arith.constant 4 : i32
      %mul3A_479 = arith.muli %and3A_401, %mul3A_478 : i32
      %add3A_480 = arith.constant 3 : i32
      %add3A_481 = arith.addi %mul3A_479, %add3A_480 : i32
      %dma_wait3A_482 = arith.constant 0 : i32
      %dma_wait3A_483 = arith.constant 0 : i32
      %dma_wait3A_484 = arith.constant 0 : i32
      %dma_wait3A_485 = tpu.memref_slice %arg6[%add3A_481, %dma_wait3A_482, %dma_wait3A_483, %dma_wait3A_484] : memref<8x8x8x128xf32, #tpu.memory_space<vmem>> -> memref<1x8x8x128xf32, #tpu.memory_space<vmem>>
      %dma_wait3A_486 = tpu.memref_squeeze %dma_wait3A_485 : memref<1x8x8x128xf32, #tpu.memory_space<vmem>> -> memref<8x8x128xf32, #tpu.memory_space<vmem>>
      %dma_wait3A_487 = arith.constant 0 : i32
      %dma_wait3A_488 = arith.constant 0 : i32
      %dma_wait3A_489 = arith.constant 0 : i32
      %dma_wait3A_490 = tpu.memref_slice %arg3[%dma_wait3A_487, %dma_wait3A_488, %dma_wait3A_489] : memref<8x8x1000000xf32, #tpu.memory_space<hbm>> -> memref<8x8x128xf32, #tpu.memory_space<hbm>>
      %dma_wait3A_491 = arith.constant 0 : i32
      %dma_wait3A_492 = arith.constant 0 : i32
      %dma_wait3A_493 = arith.constant 0 : i32
      %dma_wait3A_494 = tpu.memref_slice %arg6[%add3A_481, %dma_wait3A_491, %dma_wait3A_492, %dma_wait3A_493] : memref<8x8x8x128xf32, #tpu.memory_space<vmem>> -> memref<1x8x8x128xf32, #tpu.memory_space<vmem>>
      %dma_wait3A_495 = tpu.memref_squeeze %dma_wait3A_494 : memref<1x8x8x128xf32, #tpu.memory_space<vmem>> -> memref<8x8x128xf32, #tpu.memory_space<vmem>>
      %dma_wait3A_496 = arith.constant 0 : i32
      %dma_wait3A_497 = arith.constant 0 : i32
      %dma_wait3A_498 = arith.constant 0 : i32
      %dma_wait3A_499 = tpu.memref_slice %arg3[%dma_wait3A_496, %dma_wait3A_497, %dma_wait3A_498] : memref<8x8x1000000xf32, #tpu.memory_space<hbm>> -> memref<8x8x128xf32, #tpu.memory_space<hbm>>
      tpu.wait_dma2 semaphore(%arg8 : memref<!tpu.dma_semaphore, #tpu.memory_space<semaphore_mem>>) src(%dma_wait3A_499 : memref<8x8x128xf32, #tpu.memory_space<hbm>>) dst(%dma_wait3A_495 : memref<8x8x128xf32, #tpu.memory_space<vmem>>)
      %mul3A_500 = arith.constant 4 : i32
      %mul3A_501 = arith.muli %and3A_401, %mul3A_500 : i32
      %add3A_502 = arith.constant 0 : i32
      %add3A_503 = arith.addi %mul3A_501, %add3A_502 : i32
      %broadcast_in_dim3A_504 = vector.broadcast %add3A_503 : i32 to vector<16xi32>
      %slice3A_505 = vector.extract_strided_slice %and3A_411 {offsets = [0], sizes = [1], strides = [1]} : vector<16xi32> to vector<1xi32>
      %squeeze3A_506 = vector.extract %slice3A_505[0] : i32 from vector<1xi32>
      %broadcast_in_dim3A_507 = vector.broadcast %squeeze3A_506 : i32 to vector<16xi32>
      %mul3A_508 = arith.constant 4 : i32
      %mul3A_509 = arith.muli %sub3A_397, %mul3A_508 : i32
      %add3A_510 = arith.constant 0 : i32
      %add3A_511 = arith.addi %mul3A_509, %add3A_510 : i32
      %broadcast_in_dim3A_512 = vector.broadcast %add3A_511 : i32 to vector<16xi32>
      %gather3A_513 = tpu.vector_load_idx %arg6[%broadcast_in_dim3A_504, %shift_right_arithmetic3A_7, %and3A_30, %broadcast_in_dim3A_507] : memref<8x8x8x128xf32, #tpu.memory_space<vmem>>[vector<16xi32>, vector<16xi32>, vector<16xi32>, vector<16xi32>], vector<16xf32>,
      tpu.vector_store_idx %arg7[%shift_right_arithmetic3A_7, %and3A_30, %broadcast_in_dim3A_512], %gather3A_513 : memref<8x8x512xf32, #tpu.memory_space<vmem>>[vector<16xi32>, vector<16xi32>, vector<16xi32>], vector<16xf32>,
      %gather3A_514 = tpu.vector_load_idx %arg6[%broadcast_in_dim3A_504, %shift_right_arithmetic3A_13, %and3A_36, %broadcast_in_dim3A_507] : memref<8x8x8x128xf32, #tpu.memory_space<vmem>>[vector<16xi32>, vector<16xi32>, vector<16xi32>, vector<16xi32>], vector<16xf32>,
      tpu.vector_store_idx %arg7[%shift_right_arithmetic3A_13, %and3A_36, %broadcast_in_dim3A_512], %gather3A_514 : memref<8x8x512xf32, #tpu.memory_space<vmem>>[vector<16xi32>, vector<16xi32>, vector<16xi32>], vector<16xf32>,
      %gather3A_515 = tpu.vector_load_idx %arg6[%broadcast_in_dim3A_504, %shift_right_arithmetic3A_19, %and3A_42, %broadcast_in_dim3A_507] : memref<8x8x8x128xf32, #tpu.memory_space<vmem>>[vector<16xi32>, vector<16xi32>, vector<16xi32>, vector<16xi32>], vector<16xf32>,
      tpu.vector_store_idx %arg7[%shift_right_arithmetic3A_19, %and3A_42, %broadcast_in_dim3A_512], %gather3A_515 : memref<8x8x512xf32, #tpu.memory_space<vmem>>[vector<16xi32>, vector<16xi32>, vector<16xi32>], vector<16xf32>,
      %gather3A_516 = tpu.vector_load_idx %arg6[%broadcast_in_dim3A_504, %shift_right_arithmetic3A_25, %and3A_48, %broadcast_in_dim3A_507] : memref<8x8x8x128xf32, #tpu.memory_space<vmem>>[vector<16xi32>, vector<16xi32>, vector<16xi32>, vector<16xi32>], vector<16xf32>,
      tpu.vector_store_idx %arg7[%shift_right_arithmetic3A_25, %and3A_48, %broadcast_in_dim3A_512], %gather3A_516 : memref<8x8x512xf32, #tpu.memory_space<vmem>>[vector<16xi32>, vector<16xi32>, vector<16xi32>], vector<16xf32>,
      %mul3A_517 = arith.constant 4 : i32
      %mul3A_518 = arith.muli %and3A_401, %mul3A_517 : i32
      %add3A_519 = arith.constant 1 : i32
      %add3A_520 = arith.addi %mul3A_518, %add3A_519 : i32
      %broadcast_in_dim3A_521 = vector.broadcast %add3A_520 : i32 to vector<16xi32>
      %slice3A_522 = vector.extract_strided_slice %and3A_411 {offsets = [1], sizes = [1], strides = [1]} : vector<16xi32> to vector<1xi32>
      %squeeze3A_523 = vector.extract %slice3A_522[0] : i32 from vector<1xi32>
      %broadcast_in_dim3A_524 = vector.broadcast %squeeze3A_523 : i32 to vector<16xi32>
      %mul3A_525 = arith.constant 4 : i32
      %mul3A_526 = arith.muli %sub3A_397, %mul3A_525 : i32
      %add3A_527 = arith.constant 1 : i32
      %add3A_528 = arith.addi %mul3A_526, %add3A_527 : i32
      %broadcast_in_dim3A_529 = vector.broadcast %add3A_528 : i32 to vector<16xi32>
      %gather3A_530 = tpu.vector_load_idx %arg6[%broadcast_in_dim3A_521, %shift_right_arithmetic3A_7, %and3A_30, %broadcast_in_dim3A_524] : memref<8x8x8x128xf32, #tpu.memory_space<vmem>>[vector<16xi32>, vector<16xi32>, vector<16xi32>, vector<16xi32>], vector<16xf32>,
      tpu.vector_store_idx %arg7[%shift_right_arithmetic3A_7, %and3A_30, %broadcast_in_dim3A_529], %gather3A_530 : memref<8x8x512xf32, #tpu.memory_space<vmem>>[vector<16xi32>, vector<16xi32>, vector<16xi32>], vector<16xf32>,
      %gather3A_531 = tpu.vector_load_idx %arg6[%broadcast_in_dim3A_521, %shift_right_arithmetic3A_13, %and3A_36, %broadcast_in_dim3A_524] : memref<8x8x8x128xf32, #tpu.memory_space<vmem>>[vector<16xi32>, vector<16xi32>, vector<16xi32>, vector<16xi32>], vector<16xf32>,
      tpu.vector_store_idx %arg7[%shift_right_arithmetic3A_13, %and3A_36, %broadcast_in_dim3A_529], %gather3A_531 : memref<8x8x512xf32, #tpu.memory_space<vmem>>[vector<16xi32>, vector<16xi32>, vector<16xi32>], vector<16xf32>,
      %gather3A_532 = tpu.vector_load_idx %arg6[%broadcast_in_dim3A_521, %shift_right_arithmetic3A_19, %and3A_42, %broadcast_in_dim3A_524] : memref<8x8x8x128xf32, #tpu.memory_space<vmem>>[vector<16xi32>, vector<16xi32>, vector<16xi32>, vector<16xi32>], vector<16xf32>,
      tpu.vector_store_idx %arg7[%shift_right_arithmetic3A_19, %and3A_42, %broadcast_in_dim3A_529], %gather3A_532 : memref<8x8x512xf32, #tpu.memory_space<vmem>>[vector<16xi32>, vector<16xi32>, vector<16xi32>], vector<16xf32>,
      %gather3A_533 = tpu.vector_load_idx %arg6[%broadcast_in_dim3A_521, %shift_right_arithmetic3A_25, %and3A_48, %broadcast_in_dim3A_524] : memref<8x8x8x128xf32, #tpu.memory_space<vmem>>[vector<16xi32>, vector<16xi32>, vector<16xi32>, vector<16xi32>], vector<16xf32>,
      tpu.vector_store_idx %arg7[%shift_right_arithmetic3A_25, %and3A_48, %broadcast_in_dim3A_529], %gather3A_533 : memref<8x8x512xf32, #tpu.memory_space<vmem>>[vector<16xi32>, vector<16xi32>, vector<16xi32>], vector<16xf32>,
      %mul3A_534 = arith.constant 4 : i32
      %mul3A_535 = arith.muli %and3A_401, %mul3A_534 : i32
      %add3A_536 = arith.constant 2 : i32
      %add3A_537 = arith.addi %mul3A_535, %add3A_536 : i32
      %broadcast_in_dim3A_538 = vector.broadcast %add3A_537 : i32 to vector<16xi32>
      %slice3A_539 = vector.extract_strided_slice %and3A_411 {offsets = [2], sizes = [1], strides = [1]} : vector<16xi32> to vector<1xi32>
      %squeeze3A_540 = vector.extract %slice3A_539[0] : i32 from vector<1xi32>
      %broadcast_in_dim3A_541 = vector.broadcast %squeeze3A_540 : i32 to vector<16xi32>
      %mul3A_542 = arith.constant 4 : i32
      %mul3A_543 = arith.muli %sub3A_397, %mul3A_542 : i32
      %add3A_544 = arith.constant 2 : i32
      %add3A_545 = arith.addi %mul3A_543, %add3A_544 : i32
      %broadcast_in_dim3A_546 = vector.broadcast %add3A_545 : i32 to vector<16xi32>
      %gather3A_547 = tpu.vector_load_idx %arg6[%broadcast_in_dim3A_538, %shift_right_arithmetic3A_7, %and3A_30, %broadcast_in_dim3A_541] : memref<8x8x8x128xf32, #tpu.memory_space<vmem>>[vector<16xi32>, vector<16xi32>, vector<16xi32>, vector<16xi32>], vector<16xf32>,
      tpu.vector_store_idx %arg7[%shift_right_arithmetic3A_7, %and3A_30, %broadcast_in_dim3A_546], %gather3A_547 : memref<8x8x512xf32, #tpu.memory_space<vmem>>[vector<16xi32>, vector<16xi32>, vector<16xi32>], vector<16xf32>,
      %gather3A_548 = tpu.vector_load_idx %arg6[%broadcast_in_dim3A_538, %shift_right_arithmetic3A_13, %and3A_36, %broadcast_in_dim3A_541] : memref<8x8x8x128xf32, #tpu.memory_space<vmem>>[vector<16xi32>, vector<16xi32>, vector<16xi32>, vector<16xi32>], vector<16xf32>,
      tpu.vector_store_idx %arg7[%shift_right_arithmetic3A_13, %and3A_36, %broadcast_in_dim3A_546], %gather3A_548 : memref<8x8x512xf32, #tpu.memory_space<vmem>>[vector<16xi32>, vector<16xi32>, vector<16xi32>], vector<16xf32>,
      %gather3A_549 = tpu.vector_load_idx %arg6[%broadcast_in_dim3A_538, %shift_right_arithmetic3A_19, %and3A_42, %broadcast_in_dim3A_541] : memref<8x8x8x128xf32, #tpu.memory_space<vmem>>[vector<16xi32>, vector<16xi32>, vector<16xi32>, vector<16xi32>], vector<16xf32>,
      tpu.vector_store_idx %arg7[%shift_right_arithmetic3A_19, %and3A_42, %broadcast_in_dim3A_546], %gather3A_549 : memref<8x8x512xf32, #tpu.memory_space<vmem>>[vector<16xi32>, vector<16xi32>, vector<16xi32>], vector<16xf32>,
      %gather3A_550 = tpu.vector_load_idx %arg6[%broadcast_in_dim3A_538, %shift_right_arithmetic3A_25, %and3A_48, %broadcast_in_dim3A_541] : memref<8x8x8x128xf32, #tpu.memory_space<vmem>>[vector<16xi32>, vector<16xi32>, vector<16xi32>, vector<16xi32>], vector<16xf32>,
      tpu.vector_store_idx %arg7[%shift_right_arithmetic3A_25, %and3A_48, %broadcast_in_dim3A_546], %gather3A_550 : memref<8x8x512xf32, #tpu.memory_space<vmem>>[vector<16xi32>, vector<16xi32>, vector<16xi32>], vector<16xf32>,
      %mul3A_551 = arith.constant 4 : i32
      %mul3A_552 = arith.muli %and3A_401, %mul3A_551 : i32
      %add3A_553 = arith.constant 3 : i32
      %add3A_554 = arith.addi %mul3A_552, %add3A_553 : i32
      %broadcast_in_dim3A_555 = vector.broadcast %add3A_554 : i32 to vector<16xi32>
      %slice3A_556 = vector.extract_strided_slice %and3A_411 {offsets = [3], sizes = [1], strides = [1]} : vector<16xi32> to vector<1xi32>
      %squeeze3A_557 = vector.extract %slice3A_556[0] : i32 from vector<1xi32>
      %broadcast_in_dim3A_558 = vector.broadcast %squeeze3A_557 : i32 to vector<16xi32>
      %mul3A_559 = arith.constant 4 : i32
      %mul3A_560 = arith.muli %sub3A_397, %mul3A_559 : i32
      %add3A_561 = arith.constant 3 : i32
      %add3A_562 = arith.addi %mul3A_560, %add3A_561 : i32
      %broadcast_in_dim3A_563 = vector.broadcast %add3A_562 : i32 to vector<16xi32>
      %gather3A_564 = tpu.vector_load_idx %arg6[%broadcast_in_dim3A_555, %shift_right_arithmetic3A_7, %and3A_30, %broadcast_in_dim3A_558] : memref<8x8x8x128xf32, #tpu.memory_space<vmem>>[vector<16xi32>, vector<16xi32>, vector<16xi32>, vector<16xi32>], vector<16xf32>,
      tpu.vector_store_idx %arg7[%shift_right_arithmetic3A_7, %and3A_30, %broadcast_in_dim3A_563], %gather3A_564 : memref<8x8x512xf32, #tpu.memory_space<vmem>>[vector<16xi32>, vector<16xi32>, vector<16xi32>], vector<16xf32>,
      %gather3A_565 = tpu.vector_load_idx %arg6[%broadcast_in_dim3A_555, %shift_right_arithmetic3A_13, %and3A_36, %broadcast_in_dim3A_558] : memref<8x8x8x128xf32, #tpu.memory_space<vmem>>[vector<16xi32>, vector<16xi32>, vector<16xi32>, vector<16xi32>], vector<16xf32>,
      tpu.vector_store_idx %arg7[%shift_right_arithmetic3A_13, %and3A_36, %broadcast_in_dim3A_563], %gather3A_565 : memref<8x8x512xf32, #tpu.memory_space<vmem>>[vector<16xi32>, vector<16xi32>, vector<16xi32>], vector<16xf32>,
      %gather3A_566 = tpu.vector_load_idx %arg6[%broadcast_in_dim3A_555, %shift_right_arithmetic3A_19, %and3A_42, %broadcast_in_dim3A_558] : memref<8x8x8x128xf32, #tpu.memory_space<vmem>>[vector<16xi32>, vector<16xi32>, vector<16xi32>, vector<16xi32>], vector<16xf32>,
      tpu.vector_store_idx %arg7[%shift_right_arithmetic3A_19, %and3A_42, %broadcast_in_dim3A_563], %gather3A_566 : memref<8x8x512xf32, #tpu.memory_space<vmem>>[vector<16xi32>, vector<16xi32>, vector<16xi32>], vector<16xf32>,
      %gather3A_567 = tpu.vector_load_idx %arg6[%broadcast_in_dim3A_555, %shift_right_arithmetic3A_25, %and3A_48, %broadcast_in_dim3A_558] : memref<8x8x8x128xf32, #tpu.memory_space<vmem>>[vector<16xi32>, vector<16xi32>, vector<16xi32>, vector<16xi32>], vector<16xf32>,
      tpu.vector_store_idx %arg7[%shift_right_arithmetic3A_25, %and3A_48, %broadcast_in_dim3A_563], %gather3A_567 : memref<8x8x512xf32, #tpu.memory_space<vmem>>[vector<16xi32>, vector<16xi32>, vector<16xi32>], vector<16xf32>,
    }
    %scan3A_142 = arith.constant 127 : i32
    %get3A_143 = arith.constant 508 : index
    %get3A_144 = tpu.vector_load %arg5[%get3A_143] {strides = array<i32>} : memref<524xi32, #tpu.memory_space<vmem>>, vector<16xi32>,
    %sub3A_145 = arith.constant 1 : i32
    %sub3A_146 = vector.broadcast %sub3A_145 : i32 to vector<16xi32>
    %sub3A_147 = arith.subi %get3A_144, %sub3A_146 : vector<16xi32>
    %and3A_148 = arith.constant 127 : i32
    %and3A_149 = vector.broadcast %and3A_148 : i32 to vector<16xi32>
    %and3A_150 = arith.andi %sub3A_147, %and3A_149 : vector<16xi32>
    %dma_wait3A = arith.constant 4 : i32
    %dma_wait3A_151 = arith.constant 0 : i32
    %dma_wait3A_152 = arith.constant 0 : i32
    %dma_wait3A_153 = arith.constant 0 : i32
    %dma_wait3A_154 = tpu.memref_slice %arg6[%dma_wait3A, %dma_wait3A_151, %dma_wait3A_152, %dma_wait3A_153] : memref<8x8x8x128xf32, #tpu.memory_space<vmem>> -> memref<1x8x8x128xf32, #tpu.memory_space<vmem>>
    %dma_wait3A_155 = tpu.memref_squeeze %dma_wait3A_154 : memref<1x8x8x128xf32, #tpu.memory_space<vmem>> -> memref<8x8x128xf32, #tpu.memory_space<vmem>>
    %dma_wait3A_156 = arith.constant 0 : i32
    %dma_wait3A_157 = arith.constant 0 : i32
    %dma_wait3A_158 = arith.constant 0 : i32
    %dma_wait3A_159 = tpu.memref_slice %arg3[%dma_wait3A_156, %dma_wait3A_157, %dma_wait3A_158] : memref<8x8x1000000xf32, #tpu.memory_space<hbm>> -> memref<8x8x128xf32, #tpu.memory_space<hbm>>
    %dma_wait3A_160 = arith.constant 0 : i32
    %dma_wait3A_161 = arith.constant 0 : i32
    %dma_wait3A_162 = arith.constant 0 : i32
    %dma_wait3A_163 = tpu.memref_slice %arg6[%dma_wait3A, %dma_wait3A_160, %dma_wait3A_161, %dma_wait3A_162] : memref<8x8x8x128xf32, #tpu.memory_space<vmem>> -> memref<1x8x8x128xf32, #tpu.memory_space<vmem>>
    %dma_wait3A_164 = tpu.memref_squeeze %dma_wait3A_163 : memref<1x8x8x128xf32, #tpu.memory_space<vmem>> -> memref<8x8x128xf32, #tpu.memory_space<vmem>>
    %dma_wait3A_165 = arith.constant 0 : i32
    %dma_wait3A_166 = arith.constant 0 : i32
    %dma_wait3A_167 = arith.constant 0 : i32
    %dma_wait3A_168 = tpu.memref_slice %arg3[%dma_wait3A_165, %dma_wait3A_166, %dma_wait3A_167] : memref<8x8x1000000xf32, #tpu.memory_space<hbm>> -> memref<8x8x128xf32, #tpu.memory_space<hbm>>
    tpu.wait_dma2 semaphore(%arg8 : memref<!tpu.dma_semaphore, #tpu.memory_space<semaphore_mem>>) src(%dma_wait3A_168 : memref<8x8x128xf32, #tpu.memory_space<hbm>>) dst(%dma_wait3A_164 : memref<8x8x128xf32, #tpu.memory_space<vmem>>)
    %dma_wait3A_169 = arith.constant 5 : i32
    %dma_wait3A_170 = arith.constant 0 : i32
    %dma_wait3A_171 = arith.constant 0 : i32
    %dma_wait3A_172 = arith.constant 0 : i32
    %dma_wait3A_173 = tpu.memref_slice %arg6[%dma_wait3A_169, %dma_wait3A_170, %dma_wait3A_171, %dma_wait3A_172] : memref<8x8x8x128xf32, #tpu.memory_space<vmem>> -> memref<1x8x8x128xf32, #tpu.memory_space<vmem>>
    %dma_wait3A_174 = tpu.memref_squeeze %dma_wait3A_173 : memref<1x8x8x128xf32, #tpu.memory_space<vmem>> -> memref<8x8x128xf32, #tpu.memory_space<vmem>>
    %dma_wait3A_175 = arith.constant 0 : i32
    %dma_wait3A_176 = arith.constant 0 : i32
    %dma_wait3A_177 = arith.constant 0 : i32
    %dma_wait3A_178 = tpu.memref_slice %arg3[%dma_wait3A_175, %dma_wait3A_176, %dma_wait3A_177] : memref<8x8x1000000xf32, #tpu.memory_space<hbm>> -> memref<8x8x128xf32, #tpu.memory_space<hbm>>
    %dma_wait3A_179 = arith.constant 0 : i32
    %dma_wait3A_180 = arith.constant 0 : i32
    %dma_wait3A_181 = arith.constant 0 : i32
    %dma_wait3A_182 = tpu.memref_slice %arg6[%dma_wait3A_169, %dma_wait3A_179, %dma_wait3A_180, %dma_wait3A_181] : memref<8x8x8x128xf32, #tpu.memory_space<vmem>> -> memref<1x8x8x128xf32, #tpu.memory_space<vmem>>
    %dma_wait3A_183 = tpu.memref_squeeze %dma_wait3A_182 : memref<1x8x8x128xf32, #tpu.memory_space<vmem>> -> memref<8x8x128xf32, #tpu.memory_space<vmem>>
    %dma_wait3A_184 = arith.constant 0 : i32
    %dma_wait3A_185 = arith.constant 0 : i32
    %dma_wait3A_186 = arith.constant 0 : i32
    %dma_wait3A_187 = tpu.memref_slice %arg3[%dma_wait3A_184, %dma_wait3A_185, %dma_wait3A_186] : memref<8x8x1000000xf32, #tpu.memory_space<hbm>> -> memref<8x8x128xf32, #tpu.memory_space<hbm>>
    tpu.wait_dma2 semaphore(%arg8 : memref<!tpu.dma_semaphore, #tpu.memory_space<semaphore_mem>>) src(%dma_wait3A_187 : memref<8x8x128xf32, #tpu.memory_space<hbm>>) dst(%dma_wait3A_183 : memref<8x8x128xf32, #tpu.memory_space<vmem>>)
    %dma_wait3A_188 = arith.constant 6 : i32
    %dma_wait3A_189 = arith.constant 0 : i32
    %dma_wait3A_190 = arith.constant 0 : i32
    %dma_wait3A_191 = arith.constant 0 : i32
    %dma_wait3A_192 = tpu.memref_slice %arg6[%dma_wait3A_188, %dma_wait3A_189, %dma_wait3A_190, %dma_wait3A_191] : memref<8x8x8x128xf32, #tpu.memory_space<vmem>> -> memref<1x8x8x128xf32, #tpu.memory_space<vmem>>
    %dma_wait3A_193 = tpu.memref_squeeze %dma_wait3A_192 : memref<1x8x8x128xf32, #tpu.memory_space<vmem>> -> memref<8x8x128xf32, #tpu.memory_space<vmem>>
    %dma_wait3A_194 = arith.constant 0 : i32
    %dma_wait3A_195 = arith.constant 0 : i32
    %dma_wait3A_196 = arith.constant 0 : i32
    %dma_wait3A_197 = tpu.memref_slice %arg3[%dma_wait3A_194, %dma_wait3A_195, %dma_wait3A_196] : memref<8x8x1000000xf32, #tpu.memory_space<hbm>> -> memref<8x8x128xf32, #tpu.memory_space<hbm>>
    %dma_wait3A_198 = arith.constant 0 : i32
    %dma_wait3A_199 = arith.constant 0 : i32
    %dma_wait3A_200 = arith.constant 0 : i32
    %dma_wait3A_201 = tpu.memref_slice %arg6[%dma_wait3A_188, %dma_wait3A_198, %dma_wait3A_199, %dma_wait3A_200] : memref<8x8x8x128xf32, #tpu.memory_space<vmem>> -> memref<1x8x8x128xf32, #tpu.memory_space<vmem>>
    %dma_wait3A_202 = tpu.memref_squeeze %dma_wait3A_201 : memref<1x8x8x128xf32, #tpu.memory_space<vmem>> -> memref<8x8x128xf32, #tpu.memory_space<vmem>>
    %dma_wait3A_203 = arith.constant 0 : i32
    %dma_wait3A_204 = arith.constant 0 : i32
    %dma_wait3A_205 = arith.constant 0 : i32
    %dma_wait3A_206 = tpu.memref_slice %arg3[%dma_wait3A_203, %dma_wait3A_204, %dma_wait3A_205] : memref<8x8x1000000xf32, #tpu.memory_space<hbm>> -> memref<8x8x128xf32, #tpu.memory_space<hbm>>
    tpu.wait_dma2 semaphore(%arg8 : memref<!tpu.dma_semaphore, #tpu.memory_space<semaphore_mem>>) src(%dma_wait3A_206 : memref<8x8x128xf32, #tpu.memory_space<hbm>>) dst(%dma_wait3A_202 : memref<8x8x128xf32, #tpu.memory_space<vmem>>)
    %dma_wait3A_207 = arith.constant 7 : i32
    %dma_wait3A_208 = arith.constant 0 : i32
    %dma_wait3A_209 = arith.constant 0 : i32
    %dma_wait3A_210 = arith.constant 0 : i32
    %dma_wait3A_211 = tpu.memref_slice %arg6[%dma_wait3A_207, %dma_wait3A_208, %dma_wait3A_209, %dma_wait3A_210] : memref<8x8x8x128xf32, #tpu.memory_space<vmem>> -> memref<1x8x8x128xf32, #tpu.memory_space<vmem>>
    %dma_wait3A_212 = tpu.memref_squeeze %dma_wait3A_211 : memref<1x8x8x128xf32, #tpu.memory_space<vmem>> -> memref<8x8x128xf32, #tpu.memory_space<vmem>>
    %dma_wait3A_213 = arith.constant 0 : i32
    %dma_wait3A_214 = arith.constant 0 : i32
    %dma_wait3A_215 = arith.constant 0 : i32
    %dma_wait3A_216 = tpu.memref_slice %arg3[%dma_wait3A_213, %dma_wait3A_214, %dma_wait3A_215] : memref<8x8x1000000xf32, #tpu.memory_space<hbm>> -> memref<8x8x128xf32, #tpu.memory_space<hbm>>
    %dma_wait3A_217 = arith.constant 0 : i32
    %dma_wait3A_218 = arith.constant 0 : i32
    %dma_wait3A_219 = arith.constant 0 : i32
    %dma_wait3A_220 = tpu.memref_slice %arg6[%dma_wait3A_207, %dma_wait3A_217, %dma_wait3A_218, %dma_wait3A_219] : memref<8x8x8x128xf32, #tpu.memory_space<vmem>> -> memref<1x8x8x128xf32, #tpu.memory_space<vmem>>
    %dma_wait3A_221 = tpu.memref_squeeze %dma_wait3A_220 : memref<1x8x8x128xf32, #tpu.memory_space<vmem>> -> memref<8x8x128xf32, #tpu.memory_space<vmem>>
    %dma_wait3A_222 = arith.constant 0 : i32
    %dma_wait3A_223 = arith.constant 0 : i32
    %dma_wait3A_224 = arith.constant 0 : i32
    %dma_wait3A_225 = tpu.memref_slice %arg3[%dma_wait3A_222, %dma_wait3A_223, %dma_wait3A_224] : memref<8x8x1000000xf32, #tpu.memory_space<hbm>> -> memref<8x8x128xf32, #tpu.memory_space<hbm>>
    tpu.wait_dma2 semaphore(%arg8 : memref<!tpu.dma_semaphore, #tpu.memory_space<semaphore_mem>>) src(%dma_wait3A_225 : memref<8x8x128xf32, #tpu.memory_space<hbm>>) dst(%dma_wait3A_221 : memref<8x8x128xf32, #tpu.memory_space<vmem>>)
    %broadcast_in_dim3A = arith.constant 4 : i32
    %broadcast_in_dim3A_226 = vector.broadcast %broadcast_in_dim3A : i32 to vector<16xi32>
    %slice3A_227 = vector.extract_strided_slice %and3A_150 {offsets = [0], sizes = [1], strides = [1]} : vector<16xi32> to vector<1xi32>
    %squeeze3A_228 = vector.extract %slice3A_227[0] : i32 from vector<1xi32>
    %broadcast_in_dim3A_229 = vector.broadcast %squeeze3A_228 : i32 to vector<16xi32>
    %broadcast_in_dim3A_230 = arith.constant 508 : i32
    %broadcast_in_dim3A_231 = vector.broadcast %broadcast_in_dim3A_230 : i32 to vector<16xi32>
    %gather3A = tpu.vector_load_idx %arg6[%broadcast_in_dim3A_226, %shift_right_arithmetic3A_7, %and3A_30, %broadcast_in_dim3A_229] : memref<8x8x8x128xf32, #tpu.memory_space<vmem>>[vector<16xi32>, vector<16xi32>, vector<16xi32>, vector<16xi32>], vector<16xf32>,
    tpu.vector_store_idx %arg7[%shift_right_arithmetic3A_7, %and3A_30, %broadcast_in_dim3A_231], %gather3A : memref<8x8x512xf32, #tpu.memory_space<vmem>>[vector<16xi32>, vector<16xi32>, vector<16xi32>], vector<16xf32>,
    %gather3A_232 = tpu.vector_load_idx %arg6[%broadcast_in_dim3A_226, %shift_right_arithmetic3A_13, %and3A_36, %broadcast_in_dim3A_229] : memref<8x8x8x128xf32, #tpu.memory_space<vmem>>[vector<16xi32>, vector<16xi32>, vector<16xi32>, vector<16xi32>], vector<16xf32>,
    tpu.vector_store_idx %arg7[%shift_right_arithmetic3A_13, %and3A_36, %broadcast_in_dim3A_231], %gather3A_232 : memref<8x8x512xf32, #tpu.memory_space<vmem>>[vector<16xi32>, vector<16xi32>, vector<16xi32>], vector<16xf32>,
    %gather3A_233 = tpu.vector_load_idx %arg6[%broadcast_in_dim3A_226, %shift_right_arithmetic3A_19, %and3A_42, %broadcast_in_dim3A_229] : memref<8x8x8x128xf32, #tpu.memory_space<vmem>>[vector<16xi32>, vector<16xi32>, vector<16xi32>, vector<16xi32>], vector<16xf32>,
    tpu.vector_store_idx %arg7[%shift_right_arithmetic3A_19, %and3A_42, %broadcast_in_dim3A_231], %gather3A_233 : memref<8x8x512xf32, #tpu.memory_space<vmem>>[vector<16xi32>, vector<16xi32>, vector<16xi32>], vector<16xf32>,
    %gather3A_234 = tpu.vector_load_idx %arg6[%broadcast_in_dim3A_226, %shift_right_arithmetic3A_25, %and3A_48, %broadcast_in_dim3A_229] : memref<8x8x8x128xf32, #tpu.memory_space<vmem>>[vector<16xi32>, vector<16xi32>, vector<16xi32>, vector<16xi32>], vector<16xf32>,
    tpu.vector_store_idx %arg7[%shift_right_arithmetic3A_25, %and3A_48, %broadcast_in_dim3A_231], %gather3A_234 : memref<8x8x512xf32, #tpu.memory_space<vmem>>[vector<16xi32>, vector<16xi32>, vector<16xi32>], vector<16xf32>,
    %broadcast_in_dim3A_235 = arith.constant 5 : i32
    %broadcast_in_dim3A_236 = vector.broadcast %broadcast_in_dim3A_235 : i32 to vector<16xi32>
    %slice3A_237 = vector.extract_strided_slice %and3A_150 {offsets = [1], sizes = [1], strides = [1]} : vector<16xi32> to vector<1xi32>
    %squeeze3A_238 = vector.extract %slice3A_237[0] : i32 from vector<1xi32>
    %broadcast_in_dim3A_239 = vector.broadcast %squeeze3A_238 : i32 to vector<16xi32>
    %broadcast_in_dim3A_240 = arith.constant 509 : i32
    %broadcast_in_dim3A_241 = vector.broadcast %broadcast_in_dim3A_240 : i32 to vector<16xi32>
    %gather3A_242 = tpu.vector_load_idx %arg6[%broadcast_in_dim3A_236, %shift_right_arithmetic3A_7, %and3A_30, %broadcast_in_dim3A_239] : memref<8x8x8x128xf32, #tpu.memory_space<vmem>>[vector<16xi32>, vector<16xi32>, vector<16xi32>, vector<16xi32>], vector<16xf32>,
    tpu.vector_store_idx %arg7[%shift_right_arithmetic3A_7, %and3A_30, %broadcast_in_dim3A_241], %gather3A_242 : memref<8x8x512xf32, #tpu.memory_space<vmem>>[vector<16xi32>, vector<16xi32>, vector<16xi32>], vector<16xf32>,
    %gather3A_243 = tpu.vector_load_idx %arg6[%broadcast_in_dim3A_236, %shift_right_arithmetic3A_13, %and3A_36, %broadcast_in_dim3A_239] : memref<8x8x8x128xf32, #tpu.memory_space<vmem>>[vector<16xi32>, vector<16xi32>, vector<16xi32>, vector<16xi32>], vector<16xf32>,
    tpu.vector_store_idx %arg7[%shift_right_arithmetic3A_13, %and3A_36, %broadcast_in_dim3A_241], %gather3A_243 : memref<8x8x512xf32, #tpu.memory_space<vmem>>[vector<16xi32>, vector<16xi32>, vector<16xi32>], vector<16xf32>,
    %gather3A_244 = tpu.vector_load_idx %arg6[%broadcast_in_dim3A_236, %shift_right_arithmetic3A_19, %and3A_42, %broadcast_in_dim3A_239] : memref<8x8x8x128xf32, #tpu.memory_space<vmem>>[vector<16xi32>, vector<16xi32>, vector<16xi32>, vector<16xi32>], vector<16xf32>,
    tpu.vector_store_idx %arg7[%shift_right_arithmetic3A_19, %and3A_42, %broadcast_in_dim3A_241], %gather3A_244 : memref<8x8x512xf32, #tpu.memory_space<vmem>>[vector<16xi32>, vector<16xi32>, vector<16xi32>], vector<16xf32>,
    %gather3A_245 = tpu.vector_load_idx %arg6[%broadcast_in_dim3A_236, %shift_right_arithmetic3A_25, %and3A_48, %broadcast_in_dim3A_239] : memref<8x8x8x128xf32, #tpu.memory_space<vmem>>[vector<16xi32>, vector<16xi32>, vector<16xi32>, vector<16xi32>], vector<16xf32>,
    tpu.vector_store_idx %arg7[%shift_right_arithmetic3A_25, %and3A_48, %broadcast_in_dim3A_241], %gather3A_245 : memref<8x8x512xf32, #tpu.memory_space<vmem>>[vector<16xi32>, vector<16xi32>, vector<16xi32>], vector<16xf32>,
    %broadcast_in_dim3A_246 = arith.constant 6 : i32
    %broadcast_in_dim3A_247 = vector.broadcast %broadcast_in_dim3A_246 : i32 to vector<16xi32>
    %slice3A_248 = vector.extract_strided_slice %and3A_150 {offsets = [2], sizes = [1], strides = [1]} : vector<16xi32> to vector<1xi32>
    %squeeze3A_249 = vector.extract %slice3A_248[0] : i32 from vector<1xi32>
    %broadcast_in_dim3A_250 = vector.broadcast %squeeze3A_249 : i32 to vector<16xi32>
    %broadcast_in_dim3A_251 = arith.constant 510 : i32
    %broadcast_in_dim3A_252 = vector.broadcast %broadcast_in_dim3A_251 : i32 to vector<16xi32>
    %gather3A_253 = tpu.vector_load_idx %arg6[%broadcast_in_dim3A_247, %shift_right_arithmetic3A_7, %and3A_30, %broadcast_in_dim3A_250] : memref<8x8x8x128xf32, #tpu.memory_space<vmem>>[vector<16xi32>, vector<16xi32>, vector<16xi32>, vector<16xi32>], vector<16xf32>,
    tpu.vector_store_idx %arg7[%shift_right_arithmetic3A_7, %and3A_30, %broadcast_in_dim3A_252], %gather3A_253 : memref<8x8x512xf32, #tpu.memory_space<vmem>>[vector<16xi32>, vector<16xi32>, vector<16xi32>], vector<16xf32>,
    %gather3A_254 = tpu.vector_load_idx %arg6[%broadcast_in_dim3A_247, %shift_right_arithmetic3A_13, %and3A_36, %broadcast_in_dim3A_250] : memref<8x8x8x128xf32, #tpu.memory_space<vmem>>[vector<16xi32>, vector<16xi32>, vector<16xi32>, vector<16xi32>], vector<16xf32>,
    tpu.vector_store_idx %arg7[%shift_right_arithmetic3A_13, %and3A_36, %broadcast_in_dim3A_252], %gather3A_254 : memref<8x8x512xf32, #tpu.memory_space<vmem>>[vector<16xi32>, vector<16xi32>, vector<16xi32>], vector<16xf32>,
    %gather3A_255 = tpu.vector_load_idx %arg6[%broadcast_in_dim3A_247, %shift_right_arithmetic3A_19, %and3A_42, %broadcast_in_dim3A_250] : memref<8x8x8x128xf32, #tpu.memory_space<vmem>>[vector<16xi32>, vector<16xi32>, vector<16xi32>, vector<16xi32>], vector<16xf32>,
    tpu.vector_store_idx %arg7[%shift_right_arithmetic3A_19, %and3A_42, %broadcast_in_dim3A_252], %gather3A_255 : memref<8x8x512xf32, #tpu.memory_space<vmem>>[vector<16xi32>, vector<16xi32>, vector<16xi32>], vector<16xf32>,
    %gather3A_256 = tpu.vector_load_idx %arg6[%broadcast_in_dim3A_247, %shift_right_arithmetic3A_25, %and3A_48, %broadcast_in_dim3A_250] : memref<8x8x8x128xf32, #tpu.memory_space<vmem>>[vector<16xi32>, vector<16xi32>, vector<16xi32>, vector<16xi32>], vector<16xf32>,
    tpu.vector_store_idx %arg7[%shift_right_arithmetic3A_25, %and3A_48, %broadcast_in_dim3A_252], %gather3A_256 : memref<8x8x512xf32, #tpu.memory_space<vmem>>[vector<16xi32>, vector<16xi32>, vector<16xi32>], vector<16xf32>,
    %broadcast_in_dim3A_257 = arith.constant 7 : i32
    %broadcast_in_dim3A_258 = vector.broadcast %broadcast_in_dim3A_257 : i32 to vector<16xi32>
    %slice3A_259 = vector.extract_strided_slice %and3A_150 {offsets = [3], sizes = [1], strides = [1]} : vector<16xi32> to vector<1xi32>
    %squeeze3A_260 = vector.extract %slice3A_259[0] : i32 from vector<1xi32>
    %broadcast_in_dim3A_261 = vector.broadcast %squeeze3A_260 : i32 to vector<16xi32>
    %broadcast_in_dim3A_262 = arith.constant 511 : i32
    %broadcast_in_dim3A_263 = vector.broadcast %broadcast_in_dim3A_262 : i32 to vector<16xi32>
    %gather3A_264 = tpu.vector_load_idx %arg6[%broadcast_in_dim3A_258, %shift_right_arithmetic3A_7, %and3A_30, %broadcast_in_dim3A_261] : memref<8x8x8x128xf32, #tpu.memory_space<vmem>>[vector<16xi32>, vector<16xi32>, vector<16xi32>, vector<16xi32>], vector<16xf32>,
    tpu.vector_store_idx %arg7[%shift_right_arithmetic3A_7, %and3A_30, %broadcast_in_dim3A_263], %gather3A_264 : memref<8x8x512xf32, #tpu.memory_space<vmem>>[vector<16xi32>, vector<16xi32>, vector<16xi32>], vector<16xf32>,
    %gather3A_265 = tpu.vector_load_idx %arg6[%broadcast_in_dim3A_258, %shift_right_arithmetic3A_13, %and3A_36, %broadcast_in_dim3A_261] : memref<8x8x8x128xf32, #tpu.memory_space<vmem>>[vector<16xi32>, vector<16xi32>, vector<16xi32>, vector<16xi32>], vector<16xf32>,
    tpu.vector_store_idx %arg7[%shift_right_arithmetic3A_13, %and3A_36, %broadcast_in_dim3A_263], %gather3A_265 : memref<8x8x512xf32, #tpu.memory_space<vmem>>[vector<16xi32>, vector<16xi32>, vector<16xi32>], vector<16xf32>,
    %gather3A_266 = tpu.vector_load_idx %arg6[%broadcast_in_dim3A_258, %shift_right_arithmetic3A_19, %and3A_42, %broadcast_in_dim3A_261] : memref<8x8x8x128xf32, #tpu.memory_space<vmem>>[vector<16xi32>, vector<16xi32>, vector<16xi32>, vector<16xi32>], vector<16xf32>,
    tpu.vector_store_idx %arg7[%shift_right_arithmetic3A_19, %and3A_42, %broadcast_in_dim3A_263], %gather3A_266 : memref<8x8x512xf32, #tpu.memory_space<vmem>>[vector<16xi32>, vector<16xi32>, vector<16xi32>], vector<16xf32>,
    %gather3A_267 = tpu.vector_load_idx %arg6[%broadcast_in_dim3A_258, %shift_right_arithmetic3A_25, %and3A_48, %broadcast_in_dim3A_261] : memref<8x8x8x128xf32, #tpu.memory_space<vmem>>[vector<16xi32>, vector<16xi32>, vector<16xi32>, vector<16xi32>], vector<16xf32>,
    tpu.vector_store_idx %arg7[%shift_right_arithmetic3A_25, %and3A_48, %broadcast_in_dim3A_263], %gather3A_267 : memref<8x8x512xf32, #tpu.memory_space<vmem>>[vector<16xi32>, vector<16xi32>, vector<16xi32>], vector<16xf32>,
    %run_scoped3A = arith.constant 0 : i32
    %run_scoped3A_268 = arith.constant 0 : i32
    "tpu.region"() ({
      %run_scoped3A_283 = tpu.sem_alloc : memref<!tpu.dma_semaphore, #tpu.memory_space<semaphore_mem>>
      %dma_start3A_284 = arith.constant 0 : i32
      %dma_start3A_285 = arith.constant 0 : i32
      %dma_start3A_286 = tpu.memref_slice %arg7[%run_scoped3A, %dma_start3A_284, %dma_start3A_285] : memref<8x8x512xf32, #tpu.memory_space<vmem>> -> memref<1x8x512xf32, #tpu.memory_space<vmem>>
      %dma_start3A_287 = tpu.memref_squeeze %dma_start3A_286 : memref<1x8x512xf32, #tpu.memory_space<vmem>> -> memref<8x512xf32, #tpu.memory_space<vmem>>
      %dma_start3A_288 = arith.constant 0 : i32
      %dma_start3A_289 = tpu.memref_slice %arg4[%run_scoped3A_268, %dma_start3A_288, %mul3A_2] : memref<8x8x16384xf32, #tpu.memory_space<hbm>> -> memref<1x8x512xf32, #tpu.memory_space<hbm>>
      %dma_start3A_290 = tpu.memref_squeeze %dma_start3A_289 : memref<1x8x512xf32, #tpu.memory_space<hbm>> -> memref<8x512xf32, #tpu.memory_space<hbm>>
      %dma_start3A_291 = arith.constant 0 : i32
      %dma_start3A_292 = tpu.memref_slice %arg4[%run_scoped3A_268, %dma_start3A_291, %mul3A_2] : memref<8x8x16384xf32, #tpu.memory_space<hbm>> -> memref<1x8x512xf32, #tpu.memory_space<hbm>>
      %dma_start3A_293 = tpu.memref_squeeze %dma_start3A_292 : memref<1x8x512xf32, #tpu.memory_space<hbm>> -> memref<8x512xf32, #tpu.memory_space<hbm>>
      %dma_start3A_294 = arith.constant 0 : i32
      %dma_start3A_295 = arith.constant 0 : i32
      %dma_start3A_296 = tpu.memref_slice %arg7[%run_scoped3A, %dma_start3A_294, %dma_start3A_295] : memref<8x8x512xf32, #tpu.memory_space<vmem>> -> memref<1x8x512xf32, #tpu.memory_space<vmem>>
      %dma_start3A_297 = tpu.memref_squeeze %dma_start3A_296 : memref<1x8x512xf32, #tpu.memory_space<vmem>> -> memref<8x512xf32, #tpu.memory_space<vmem>>
      tpu.enqueue_dma source(%dma_start3A_297 : memref<8x512xf32, #tpu.memory_space<vmem>>) target(%dma_start3A_293 : memref<8x512xf32, #tpu.memory_space<hbm>>) target_semaphore(%run_scoped3A_283 : memref<!tpu.dma_semaphore, #tpu.memory_space<semaphore_mem>>)
      %dma_wait3A_298 = arith.constant 0 : i32
      %dma_wait3A_299 = arith.constant 0 : i32
      %dma_wait3A_300 = tpu.memref_slice %arg7[%run_scoped3A, %dma_wait3A_298, %dma_wait3A_299] : memref<8x8x512xf32, #tpu.memory_space<vmem>> -> memref<1x8x512xf32, #tpu.memory_space<vmem>>
      %dma_wait3A_301 = tpu.memref_squeeze %dma_wait3A_300 : memref<1x8x512xf32, #tpu.memory_space<vmem>> -> memref<8x512xf32, #tpu.memory_space<vmem>>
      %dma_wait3A_302 = arith.constant 0 : i32
      %dma_wait3A_303 = tpu.memref_slice %arg4[%run_scoped3A_268, %dma_wait3A_302, %mul3A_2] : memref<8x8x16384xf32, #tpu.memory_space<hbm>> -> memref<1x8x512xf32, #tpu.memory_space<hbm>>
      %dma_wait3A_304 = tpu.memref_squeeze %dma_wait3A_303 : memref<1x8x512xf32, #tpu.memory_space<hbm>> -> memref<8x512xf32, #tpu.memory_space<hbm>>
      %dma_wait3A_305 = arith.constant 0 : i32
      %dma_wait3A_306 = tpu.memref_slice %arg4[%run_scoped3A_268, %dma_wait3A_305, %mul3A_2] : memref<8x8x16384xf32, #tpu.memory_space<hbm>> -> memref<1x8x512xf32, #tpu.memory_space<hbm>>
      %dma_wait3A_307 = tpu.memref_squeeze %dma_wait3A_306 : memref<1x8x512xf32, #tpu.memory_space<hbm>> -> memref<8x512xf32, #tpu.memory_space<hbm>>
      %dma_wait3A_308 = arith.constant 0 : i32
      %dma_wait3A_309 = arith.constant 0 : i32
      %dma_wait3A_310 = tpu.memref_slice %arg7[%run_scoped3A, %dma_wait3A_308, %dma_wait3A_309] : memref<8x8x512xf32, #tpu.memory_space<vmem>> -> memref<1x8x512xf32, #tpu.memory_space<vmem>>
      %dma_wait3A_311 = tpu.memref_squeeze %dma_wait3A_310 : memref<1x8x512xf32, #tpu.memory_space<vmem>> -> memref<8x512xf32, #tpu.memory_space<vmem>>
      tpu.wait_dma2 semaphore(%run_scoped3A_283 : memref<!tpu.dma_semaphore, #tpu.memory_space<semaphore_mem>>) src(%dma_wait3A_311 : memref<8x512xf32, #tpu.memory_space<vmem>>) dst(%dma_wait3A_307 : memref<8x512xf32, #tpu.memory_space<hbm>>)
      tpu.yield
    }) : () -> ()
    %run_scoped3A_269 = arith.constant 1 : i32
    %run_scoped3A_270 = arith.constant 1 : i32
    "tpu.region"() ({
      %run_scoped3A_283 = tpu.sem_alloc : memref<!tpu.dma_semaphore, #tpu.memory_space<semaphore_mem>>
      %dma_start3A_284 = arith.constant 0 : i32
      %dma_start3A_285 = arith.constant 0 : i32
      %dma_start3A_286 = tpu.memref_slice %arg7[%run_scoped3A_269, %dma_start3A_284, %dma_start3A_285] : memref<8x8x512xf32, #tpu.memory_space<vmem>> -> memref<1x8x512xf32, #tpu.memory_space<vmem>>
      %dma_start3A_287 = tpu.memref_squeeze %dma_start3A_286 : memref<1x8x512xf32, #tpu.memory_space<vmem>> -> memref<8x512xf32, #tpu.memory_space<vmem>>
      %dma_start3A_288 = arith.constant 0 : i32
      %dma_start3A_289 = tpu.memref_slice %arg4[%run_scoped3A_270, %dma_start3A_288, %mul3A_2] : memref<8x8x16384xf32, #tpu.memory_space<hbm>> -> memref<1x8x512xf32, #tpu.memory_space<hbm>>
      %dma_start3A_290 = tpu.memref_squeeze %dma_start3A_289 : memref<1x8x512xf32, #tpu.memory_space<hbm>> -> memref<8x512xf32, #tpu.memory_space<hbm>>
      %dma_start3A_291 = arith.constant 0 : i32
      %dma_start3A_292 = tpu.memref_slice %arg4[%run_scoped3A_270, %dma_start3A_291, %mul3A_2] : memref<8x8x16384xf32, #tpu.memory_space<hbm>> -> memref<1x8x512xf32, #tpu.memory_space<hbm>>
      %dma_start3A_293 = tpu.memref_squeeze %dma_start3A_292 : memref<1x8x512xf32, #tpu.memory_space<hbm>> -> memref<8x512xf32, #tpu.memory_space<hbm>>
      %dma_start3A_294 = arith.constant 0 : i32
      %dma_start3A_295 = arith.constant 0 : i32
      %dma_start3A_296 = tpu.memref_slice %arg7[%run_scoped3A_269, %dma_start3A_294, %dma_start3A_295] : memref<8x8x512xf32, #tpu.memory_space<vmem>> -> memref<1x8x512xf32, #tpu.memory_space<vmem>>
      %dma_start3A_297 = tpu.memref_squeeze %dma_start3A_296 : memref<1x8x512xf32, #tpu.memory_space<vmem>> -> memref<8x512xf32, #tpu.memory_space<vmem>>
      tpu.enqueue_dma source(%dma_start3A_297 : memref<8x512xf32, #tpu.memory_space<vmem>>) target(%dma_start3A_293 : memref<8x512xf32, #tpu.memory_space<hbm>>) target_semaphore(%run_scoped3A_283 : memref<!tpu.dma_semaphore, #tpu.memory_space<semaphore_mem>>)
      %dma_wait3A_298 = arith.constant 0 : i32
      %dma_wait3A_299 = arith.constant 0 : i32
      %dma_wait3A_300 = tpu.memref_slice %arg7[%run_scoped3A_269, %dma_wait3A_298, %dma_wait3A_299] : memref<8x8x512xf32, #tpu.memory_space<vmem>> -> memref<1x8x512xf32, #tpu.memory_space<vmem>>
      %dma_wait3A_301 = tpu.memref_squeeze %dma_wait3A_300 : memref<1x8x512xf32, #tpu.memory_space<vmem>> -> memref<8x512xf32, #tpu.memory_space<vmem>>
      %dma_wait3A_302 = arith.constant 0 : i32
      %dma_wait3A_303 = tpu.memref_slice %arg4[%run_scoped3A_270, %dma_wait3A_302, %mul3A_2] : memref<8x8x16384xf32, #tpu.memory_space<hbm>> -> memref<1x8x512xf32, #tpu.memory_space<hbm>>
      %dma_wait3A_304 = tpu.memref_squeeze %dma_wait3A_303 : memref<1x8x512xf32, #tpu.memory_space<hbm>> -> memref<8x512xf32, #tpu.memory_space<hbm>>
      %dma_wait3A_305 = arith.constant 0 : i32
      %dma_wait3A_306 = tpu.memref_slice %arg4[%run_scoped3A_270, %dma_wait3A_305, %mul3A_2] : memref<8x8x16384xf32, #tpu.memory_space<hbm>> -> memref<1x8x512xf32, #tpu.memory_space<hbm>>
      %dma_wait3A_307 = tpu.memref_squeeze %dma_wait3A_306 : memref<1x8x512xf32, #tpu.memory_space<hbm>> -> memref<8x512xf32, #tpu.memory_space<hbm>>
      %dma_wait3A_308 = arith.constant 0 : i32
      %dma_wait3A_309 = arith.constant 0 : i32
      %dma_wait3A_310 = tpu.memref_slice %arg7[%run_scoped3A_269, %dma_wait3A_308, %dma_wait3A_309] : memref<8x8x512xf32, #tpu.memory_space<vmem>> -> memref<1x8x512xf32, #tpu.memory_space<vmem>>
      %dma_wait3A_311 = tpu.memref_squeeze %dma_wait3A_310 : memref<1x8x512xf32, #tpu.memory_space<vmem>> -> memref<8x512xf32, #tpu.memory_space<vmem>>
      tpu.wait_dma2 semaphore(%run_scoped3A_283 : memref<!tpu.dma_semaphore, #tpu.memory_space<semaphore_mem>>) src(%dma_wait3A_311 : memref<8x512xf32, #tpu.memory_space<vmem>>) dst(%dma_wait3A_307 : memref<8x512xf32, #tpu.memory_space<hbm>>)
      tpu.yield
    }) : () -> ()
    %run_scoped3A_271 = arith.constant 2 : i32
    %run_scoped3A_272 = arith.constant 2 : i32
    "tpu.region"() ({
      %run_scoped3A_283 = tpu.sem_alloc : memref<!tpu.dma_semaphore, #tpu.memory_space<semaphore_mem>>
      %dma_start3A_284 = arith.constant 0 : i32
      %dma_start3A_285 = arith.constant 0 : i32
      %dma_start3A_286 = tpu.memref_slice %arg7[%run_scoped3A_271, %dma_start3A_284, %dma_start3A_285] : memref<8x8x512xf32, #tpu.memory_space<vmem>> -> memref<1x8x512xf32, #tpu.memory_space<vmem>>
      %dma_start3A_287 = tpu.memref_squeeze %dma_start3A_286 : memref<1x8x512xf32, #tpu.memory_space<vmem>> -> memref<8x512xf32, #tpu.memory_space<vmem>>
      %dma_start3A_288 = arith.constant 0 : i32
      %dma_start3A_289 = tpu.memref_slice %arg4[%run_scoped3A_272, %dma_start3A_288, %mul3A_2] : memref<8x8x16384xf32, #tpu.memory_space<hbm>> -> memref<1x8x512xf32, #tpu.memory_space<hbm>>
      %dma_start3A_290 = tpu.memref_squeeze %dma_start3A_289 : memref<1x8x512xf32, #tpu.memory_space<hbm>> -> memref<8x512xf32, #tpu.memory_space<hbm>>
      %dma_start3A_291 = arith.constant 0 : i32
      %dma_start3A_292 = tpu.memref_slice %arg4[%run_scoped3A_272, %dma_start3A_291, %mul3A_2] : memref<8x8x16384xf32, #tpu.memory_space<hbm>> -> memref<1x8x512xf32, #tpu.memory_space<hbm>>
      %dma_start3A_293 = tpu.memref_squeeze %dma_start3A_292 : memref<1x8x512xf32, #tpu.memory_space<hbm>> -> memref<8x512xf32, #tpu.memory_space<hbm>>
      %dma_start3A_294 = arith.constant 0 : i32
      %dma_start3A_295 = arith.constant 0 : i32
      %dma_start3A_296 = tpu.memref_slice %arg7[%run_scoped3A_271, %dma_start3A_294, %dma_start3A_295] : memref<8x8x512xf32, #tpu.memory_space<vmem>> -> memref<1x8x512xf32, #tpu.memory_space<vmem>>
      %dma_start3A_297 = tpu.memref_squeeze %dma_start3A_296 : memref<1x8x512xf32, #tpu.memory_space<vmem>> -> memref<8x512xf32, #tpu.memory_space<vmem>>
      tpu.enqueue_dma source(%dma_start3A_297 : memref<8x512xf32, #tpu.memory_space<vmem>>) target(%dma_start3A_293 : memref<8x512xf32, #tpu.memory_space<hbm>>) target_semaphore(%run_scoped3A_283 : memref<!tpu.dma_semaphore, #tpu.memory_space<semaphore_mem>>)
      %dma_wait3A_298 = arith.constant 0 : i32
      %dma_wait3A_299 = arith.constant 0 : i32
      %dma_wait3A_300 = tpu.memref_slice %arg7[%run_scoped3A_271, %dma_wait3A_298, %dma_wait3A_299] : memref<8x8x512xf32, #tpu.memory_space<vmem>> -> memref<1x8x512xf32, #tpu.memory_space<vmem>>
      %dma_wait3A_301 = tpu.memref_squeeze %dma_wait3A_300 : memref<1x8x512xf32, #tpu.memory_space<vmem>> -> memref<8x512xf32, #tpu.memory_space<vmem>>
      %dma_wait3A_302 = arith.constant 0 : i32
      %dma_wait3A_303 = tpu.memref_slice %arg4[%run_scoped3A_272, %dma_wait3A_302, %mul3A_2] : memref<8x8x16384xf32, #tpu.memory_space<hbm>> -> memref<1x8x512xf32, #tpu.memory_space<hbm>>
      %dma_wait3A_304 = tpu.memref_squeeze %dma_wait3A_303 : memref<1x8x512xf32, #tpu.memory_space<hbm>> -> memref<8x512xf32, #tpu.memory_space<hbm>>
      %dma_wait3A_305 = arith.constant 0 : i32
      %dma_wait3A_306 = tpu.memref_slice %arg4[%run_scoped3A_272, %dma_wait3A_305, %mul3A_2] : memref<8x8x16384xf32, #tpu.memory_space<hbm>> -> memref<1x8x512xf32, #tpu.memory_space<hbm>>
      %dma_wait3A_307 = tpu.memref_squeeze %dma_wait3A_306 : memref<1x8x512xf32, #tpu.memory_space<hbm>> -> memref<8x512xf32, #tpu.memory_space<hbm>>
      %dma_wait3A_308 = arith.constant 0 : i32
      %dma_wait3A_309 = arith.constant 0 : i32
      %dma_wait3A_310 = tpu.memref_slice %arg7[%run_scoped3A_271, %dma_wait3A_308, %dma_wait3A_309] : memref<8x8x512xf32, #tpu.memory_space<vmem>> -> memref<1x8x512xf32, #tpu.memory_space<vmem>>
      %dma_wait3A_311 = tpu.memref_squeeze %dma_wait3A_310 : memref<1x8x512xf32, #tpu.memory_space<vmem>> -> memref<8x512xf32, #tpu.memory_space<vmem>>
      tpu.wait_dma2 semaphore(%run_scoped3A_283 : memref<!tpu.dma_semaphore, #tpu.memory_space<semaphore_mem>>) src(%dma_wait3A_311 : memref<8x512xf32, #tpu.memory_space<vmem>>) dst(%dma_wait3A_307 : memref<8x512xf32, #tpu.memory_space<hbm>>)
      tpu.yield
    }) : () -> ()
    %run_scoped3A_273 = arith.constant 3 : i32
    %run_scoped3A_274 = arith.constant 3 : i32
    "tpu.region"() ({
      %run_scoped3A_283 = tpu.sem_alloc : memref<!tpu.dma_semaphore, #tpu.memory_space<semaphore_mem>>
      %dma_start3A_284 = arith.constant 0 : i32
      %dma_start3A_285 = arith.constant 0 : i32
      %dma_start3A_286 = tpu.memref_slice %arg7[%run_scoped3A_273, %dma_start3A_284, %dma_start3A_285] : memref<8x8x512xf32, #tpu.memory_space<vmem>> -> memref<1x8x512xf32, #tpu.memory_space<vmem>>
      %dma_start3A_287 = tpu.memref_squeeze %dma_start3A_286 : memref<1x8x512xf32, #tpu.memory_space<vmem>> -> memref<8x512xf32, #tpu.memory_space<vmem>>
      %dma_start3A_288 = arith.constant 0 : i32
      %dma_start3A_289 = tpu.memref_slice %arg4[%run_scoped3A_274, %dma_start3A_288, %mul3A_2] : memref<8x8x16384xf32, #tpu.memory_space<hbm>> -> memref<1x8x512xf32, #tpu.memory_space<hbm>>
      %dma_start3A_290 = tpu.memref_squeeze %dma_start3A_289 : memref<1x8x512xf32, #tpu.memory_space<hbm>> -> memref<8x512xf32, #tpu.memory_space<hbm>>
      %dma_start3A_291 = arith.constant 0 : i32
      %dma_start3A_292 = tpu.memref_slice %arg4[%run_scoped3A_274, %dma_start3A_291, %mul3A_2] : memref<8x8x16384xf32, #tpu.memory_space<hbm>> -> memref<1x8x512xf32, #tpu.memory_space<hbm>>
      %dma_start3A_293 = tpu.memref_squeeze %dma_start3A_292 : memref<1x8x512xf32, #tpu.memory_space<hbm>> -> memref<8x512xf32, #tpu.memory_space<hbm>>
      %dma_start3A_294 = arith.constant 0 : i32
      %dma_start3A_295 = arith.constant 0 : i32
      %dma_start3A_296 = tpu.memref_slice %arg7[%run_scoped3A_273, %dma_start3A_294, %dma_start3A_295] : memref<8x8x512xf32, #tpu.memory_space<vmem>> -> memref<1x8x512xf32, #tpu.memory_space<vmem>>
      %dma_start3A_297 = tpu.memref_squeeze %dma_start3A_296 : memref<1x8x512xf32, #tpu.memory_space<vmem>> -> memref<8x512xf32, #tpu.memory_space<vmem>>
      tpu.enqueue_dma source(%dma_start3A_297 : memref<8x512xf32, #tpu.memory_space<vmem>>) target(%dma_start3A_293 : memref<8x512xf32, #tpu.memory_space<hbm>>) target_semaphore(%run_scoped3A_283 : memref<!tpu.dma_semaphore, #tpu.memory_space<semaphore_mem>>)
      %dma_wait3A_298 = arith.constant 0 : i32
      %dma_wait3A_299 = arith.constant 0 : i32
      %dma_wait3A_300 = tpu.memref_slice %arg7[%run_scoped3A_273, %dma_wait3A_298, %dma_wait3A_299] : memref<8x8x512xf32, #tpu.memory_space<vmem>> -> memref<1x8x512xf32, #tpu.memory_space<vmem>>
      %dma_wait3A_301 = tpu.memref_squeeze %dma_wait3A_300 : memref<1x8x512xf32, #tpu.memory_space<vmem>> -> memref<8x512xf32, #tpu.memory_space<vmem>>
      %dma_wait3A_302 = arith.constant 0 : i32
      %dma_wait3A_303 = tpu.memref_slice %arg4[%run_scoped3A_274, %dma_wait3A_302, %mul3A_2] : memref<8x8x16384xf32, #tpu.memory_space<hbm>> -> memref<1x8x512xf32, #tpu.memory_space<hbm>>
      %dma_wait3A_304 = tpu.memref_squeeze %dma_wait3A_303 : memref<1x8x512xf32, #tpu.memory_space<hbm>> -> memref<8x512xf32, #tpu.memory_space<hbm>>
      %dma_wait3A_305 = arith.constant 0 : i32
      %dma_wait3A_306 = tpu.memref_slice %arg4[%run_scoped3A_274, %dma_wait3A_305, %mul3A_2] : memref<8x8x16384xf32, #tpu.memory_space<hbm>> -> memref<1x8x512xf32, #tpu.memory_space<hbm>>
      %dma_wait3A_307 = tpu.memref_squeeze %dma_wait3A_306 : memref<1x8x512xf32, #tpu.memory_space<hbm>> -> memref<8x512xf32, #tpu.memory_space<hbm>>
      %dma_wait3A_308 = arith.constant 0 : i32
      %dma_wait3A_309 = arith.constant 0 : i32
      %dma_wait3A_310 = tpu.memref_slice %arg7[%run_scoped3A_273, %dma_wait3A_308, %dma_wait3A_309] : memref<8x8x512xf32, #tpu.memory_space<vmem>> -> memref<1x8x512xf32, #tpu.memory_space<vmem>>
      %dma_wait3A_311 = tpu.memref_squeeze %dma_wait3A_310 : memref<1x8x512xf32, #tpu.memory_space<vmem>> -> memref<8x512xf32, #tpu.memory_space<vmem>>
      tpu.wait_dma2 semaphore(%run_scoped3A_283 : memref<!tpu.dma_semaphore, #tpu.memory_space<semaphore_mem>>) src(%dma_wait3A_311 : memref<8x512xf32, #tpu.memory_space<vmem>>) dst(%dma_wait3A_307 : memref<8x512xf32, #tpu.memory_space<hbm>>)
      tpu.yield
    }) : () -> ()
    %run_scoped3A_275 = arith.constant 4 : i32
    %run_scoped3A_276 = arith.constant 4 : i32
    "tpu.region"() ({
      %run_scoped3A_283 = tpu.sem_alloc : memref<!tpu.dma_semaphore, #tpu.memory_space<semaphore_mem>>
      %dma_start3A_284 = arith.constant 0 : i32
      %dma_start3A_285 = arith.constant 0 : i32
      %dma_start3A_286 = tpu.memref_slice %arg7[%run_scoped3A_275, %dma_start3A_284, %dma_start3A_285] : memref<8x8x512xf32, #tpu.memory_space<vmem>> -> memref<1x8x512xf32, #tpu.memory_space<vmem>>
      %dma_start3A_287 = tpu.memref_squeeze %dma_start3A_286 : memref<1x8x512xf32, #tpu.memory_space<vmem>> -> memref<8x512xf32, #tpu.memory_space<vmem>>
      %dma_start3A_288 = arith.constant 0 : i32
      %dma_start3A_289 = tpu.memref_slice %arg4[%run_scoped3A_276, %dma_start3A_288, %mul3A_2] : memref<8x8x16384xf32, #tpu.memory_space<hbm>> -> memref<1x8x512xf32, #tpu.memory_space<hbm>>
      %dma_start3A_290 = tpu.memref_squeeze %dma_start3A_289 : memref<1x8x512xf32, #tpu.memory_space<hbm>> -> memref<8x512xf32, #tpu.memory_space<hbm>>
      %dma_start3A_291 = arith.constant 0 : i32
      %dma_start3A_292 = tpu.memref_slice %arg4[%run_scoped3A_276, %dma_start3A_291, %mul3A_2] : memref<8x8x16384xf32, #tpu.memory_space<hbm>> -> memref<1x8x512xf32, #tpu.memory_space<hbm>>
      %dma_start3A_293 = tpu.memref_squeeze %dma_start3A_292 : memref<1x8x512xf32, #tpu.memory_space<hbm>> -> memref<8x512xf32, #tpu.memory_space<hbm>>
      %dma_start3A_294 = arith.constant 0 : i32
      %dma_start3A_295 = arith.constant 0 : i32
      %dma_start3A_296 = tpu.memref_slice %arg7[%run_scoped3A_275, %dma_start3A_294, %dma_start3A_295] : memref<8x8x512xf32, #tpu.memory_space<vmem>> -> memref<1x8x512xf32, #tpu.memory_space<vmem>>
      %dma_start3A_297 = tpu.memref_squeeze %dma_start3A_296 : memref<1x8x512xf32, #tpu.memory_space<vmem>> -> memref<8x512xf32, #tpu.memory_space<vmem>>
      tpu.enqueue_dma source(%dma_start3A_297 : memref<8x512xf32, #tpu.memory_space<vmem>>) target(%dma_start3A_293 : memref<8x512xf32, #tpu.memory_space<hbm>>) target_semaphore(%run_scoped3A_283 : memref<!tpu.dma_semaphore, #tpu.memory_space<semaphore_mem>>)
      %dma_wait3A_298 = arith.constant 0 : i32
      %dma_wait3A_299 = arith.constant 0 : i32
      %dma_wait3A_300 = tpu.memref_slice %arg7[%run_scoped3A_275, %dma_wait3A_298, %dma_wait3A_299] : memref<8x8x512xf32, #tpu.memory_space<vmem>> -> memref<1x8x512xf32, #tpu.memory_space<vmem>>
      %dma_wait3A_301 = tpu.memref_squeeze %dma_wait3A_300 : memref<1x8x512xf32, #tpu.memory_space<vmem>> -> memref<8x512xf32, #tpu.memory_space<vmem>>
      %dma_wait3A_302 = arith.constant 0 : i32
      %dma_wait3A_303 = tpu.memref_slice %arg4[%run_scoped3A_276, %dma_wait3A_302, %mul3A_2] : memref<8x8x16384xf32, #tpu.memory_space<hbm>> -> memref<1x8x512xf32, #tpu.memory_space<hbm>>
      %dma_wait3A_304 = tpu.memref_squeeze %dma_wait3A_303 : memref<1x8x512xf32, #tpu.memory_space<hbm>> -> memref<8x512xf32, #tpu.memory_space<hbm>>
      %dma_wait3A_305 = arith.constant 0 : i32
      %dma_wait3A_306 = tpu.memref_slice %arg4[%run_scoped3A_276, %dma_wait3A_305, %mul3A_2] : memref<8x8x16384xf32, #tpu.memory_space<hbm>> -> memref<1x8x512xf32, #tpu.memory_space<hbm>>
      %dma_wait3A_307 = tpu.memref_squeeze %dma_wait3A_306 : memref<1x8x512xf32, #tpu.memory_space<hbm>> -> memref<8x512xf32, #tpu.memory_space<hbm>>
      %dma_wait3A_308 = arith.constant 0 : i32
      %dma_wait3A_309 = arith.constant 0 : i32
      %dma_wait3A_310 = tpu.memref_slice %arg7[%run_scoped3A_275, %dma_wait3A_308, %dma_wait3A_309] : memref<8x8x512xf32, #tpu.memory_space<vmem>> -> memref<1x8x512xf32, #tpu.memory_space<vmem>>
      %dma_wait3A_311 = tpu.memref_squeeze %dma_wait3A_310 : memref<1x8x512xf32, #tpu.memory_space<vmem>> -> memref<8x512xf32, #tpu.memory_space<vmem>>
      tpu.wait_dma2 semaphore(%run_scoped3A_283 : memref<!tpu.dma_semaphore, #tpu.memory_space<semaphore_mem>>) src(%dma_wait3A_311 : memref<8x512xf32, #tpu.memory_space<vmem>>) dst(%dma_wait3A_307 : memref<8x512xf32, #tpu.memory_space<hbm>>)
      tpu.yield
    }) : () -> ()
    %run_scoped3A_277 = arith.constant 5 : i32
    %run_scoped3A_278 = arith.constant 5 : i32
    "tpu.region"() ({
      %run_scoped3A_283 = tpu.sem_alloc : memref<!tpu.dma_semaphore, #tpu.memory_space<semaphore_mem>>
      %dma_start3A_284 = arith.constant 0 : i32
      %dma_start3A_285 = arith.constant 0 : i32
      %dma_start3A_286 = tpu.memref_slice %arg7[%run_scoped3A_277, %dma_start3A_284, %dma_start3A_285] : memref<8x8x512xf32, #tpu.memory_space<vmem>> -> memref<1x8x512xf32, #tpu.memory_space<vmem>>
      %dma_start3A_287 = tpu.memref_squeeze %dma_start3A_286 : memref<1x8x512xf32, #tpu.memory_space<vmem>> -> memref<8x512xf32, #tpu.memory_space<vmem>>
      %dma_start3A_288 = arith.constant 0 : i32
      %dma_start3A_289 = tpu.memref_slice %arg4[%run_scoped3A_278, %dma_start3A_288, %mul3A_2] : memref<8x8x16384xf32, #tpu.memory_space<hbm>> -> memref<1x8x512xf32, #tpu.memory_space<hbm>>
      %dma_start3A_290 = tpu.memref_squeeze %dma_start3A_289 : memref<1x8x512xf32, #tpu.memory_space<hbm>> -> memref<8x512xf32, #tpu.memory_space<hbm>>
      %dma_start3A_291 = arith.constant 0 : i32
      %dma_start3A_292 = tpu.memref_slice %arg4[%run_scoped3A_278, %dma_start3A_291, %mul3A_2] : memref<8x8x16384xf32, #tpu.memory_space<hbm>> -> memref<1x8x512xf32, #tpu.memory_space<hbm>>
      %dma_start3A_293 = tpu.memref_squeeze %dma_start3A_292 : memref<1x8x512xf32, #tpu.memory_space<hbm>> -> memref<8x512xf32, #tpu.memory_space<hbm>>
      %dma_start3A_294 = arith.constant 0 : i32
      %dma_start3A_295 = arith.constant 0 : i32
      %dma_start3A_296 = tpu.memref_slice %arg7[%run_scoped3A_277, %dma_start3A_294, %dma_start3A_295] : memref<8x8x512xf32, #tpu.memory_space<vmem>> -> memref<1x8x512xf32, #tpu.memory_space<vmem>>
      %dma_start3A_297 = tpu.memref_squeeze %dma_start3A_296 : memref<1x8x512xf32, #tpu.memory_space<vmem>> -> memref<8x512xf32, #tpu.memory_space<vmem>>
      tpu.enqueue_dma source(%dma_start3A_297 : memref<8x512xf32, #tpu.memory_space<vmem>>) target(%dma_start3A_293 : memref<8x512xf32, #tpu.memory_space<hbm>>) target_semaphore(%run_scoped3A_283 : memref<!tpu.dma_semaphore, #tpu.memory_space<semaphore_mem>>)
      %dma_wait3A_298 = arith.constant 0 : i32
      %dma_wait3A_299 = arith.constant 0 : i32
      %dma_wait3A_300 = tpu.memref_slice %arg7[%run_scoped3A_277, %dma_wait3A_298, %dma_wait3A_299] : memref<8x8x512xf32, #tpu.memory_space<vmem>> -> memref<1x8x512xf32, #tpu.memory_space<vmem>>
      %dma_wait3A_301 = tpu.memref_squeeze %dma_wait3A_300 : memref<1x8x512xf32, #tpu.memory_space<vmem>> -> memref<8x512xf32, #tpu.memory_space<vmem>>
      %dma_wait3A_302 = arith.constant 0 : i32
      %dma_wait3A_303 = tpu.memref_slice %arg4[%run_scoped3A_278, %dma_wait3A_302, %mul3A_2] : memref<8x8x16384xf32, #tpu.memory_space<hbm>> -> memref<1x8x512xf32, #tpu.memory_space<hbm>>
      %dma_wait3A_304 = tpu.memref_squeeze %dma_wait3A_303 : memref<1x8x512xf32, #tpu.memory_space<hbm>> -> memref<8x512xf32, #tpu.memory_space<hbm>>
      %dma_wait3A_305 = arith.constant 0 : i32
      %dma_wait3A_306 = tpu.memref_slice %arg4[%run_scoped3A_278, %dma_wait3A_305, %mul3A_2] : memref<8x8x16384xf32, #tpu.memory_space<hbm>> -> memref<1x8x512xf32, #tpu.memory_space<hbm>>
      %dma_wait3A_307 = tpu.memref_squeeze %dma_wait3A_306 : memref<1x8x512xf32, #tpu.memory_space<hbm>> -> memref<8x512xf32, #tpu.memory_space<hbm>>
      %dma_wait3A_308 = arith.constant 0 : i32
      %dma_wait3A_309 = arith.constant 0 : i32
      %dma_wait3A_310 = tpu.memref_slice %arg7[%run_scoped3A_277, %dma_wait3A_308, %dma_wait3A_309] : memref<8x8x512xf32, #tpu.memory_space<vmem>> -> memref<1x8x512xf32, #tpu.memory_space<vmem>>
      %dma_wait3A_311 = tpu.memref_squeeze %dma_wait3A_310 : memref<1x8x512xf32, #tpu.memory_space<vmem>> -> memref<8x512xf32, #tpu.memory_space<vmem>>
      tpu.wait_dma2 semaphore(%run_scoped3A_283 : memref<!tpu.dma_semaphore, #tpu.memory_space<semaphore_mem>>) src(%dma_wait3A_311 : memref<8x512xf32, #tpu.memory_space<vmem>>) dst(%dma_wait3A_307 : memref<8x512xf32, #tpu.memory_space<hbm>>)
      tpu.yield
    }) : () -> ()
    %run_scoped3A_279 = arith.constant 6 : i32
    %run_scoped3A_280 = arith.constant 6 : i32
    "tpu.region"() ({
      %run_scoped3A_283 = tpu.sem_alloc : memref<!tpu.dma_semaphore, #tpu.memory_space<semaphore_mem>>
      %dma_start3A_284 = arith.constant 0 : i32
      %dma_start3A_285 = arith.constant 0 : i32
      %dma_start3A_286 = tpu.memref_slice %arg7[%run_scoped3A_279, %dma_start3A_284, %dma_start3A_285] : memref<8x8x512xf32, #tpu.memory_space<vmem>> -> memref<1x8x512xf32, #tpu.memory_space<vmem>>
      %dma_start3A_287 = tpu.memref_squeeze %dma_start3A_286 : memref<1x8x512xf32, #tpu.memory_space<vmem>> -> memref<8x512xf32, #tpu.memory_space<vmem>>
      %dma_start3A_288 = arith.constant 0 : i32
      %dma_start3A_289 = tpu.memref_slice %arg4[%run_scoped3A_280, %dma_start3A_288, %mul3A_2] : memref<8x8x16384xf32, #tpu.memory_space<hbm>> -> memref<1x8x512xf32, #tpu.memory_space<hbm>>
      %dma_start3A_290 = tpu.memref_squeeze %dma_start3A_289 : memref<1x8x512xf32, #tpu.memory_space<hbm>> -> memref<8x512xf32, #tpu.memory_space<hbm>>
      %dma_start3A_291 = arith.constant 0 : i32
      %dma_start3A_292 = tpu.memref_slice %arg4[%run_scoped3A_280, %dma_start3A_291, %mul3A_2] : memref<8x8x16384xf32, #tpu.memory_space<hbm>> -> memref<1x8x512xf32, #tpu.memory_space<hbm>>
      %dma_start3A_293 = tpu.memref_squeeze %dma_start3A_292 : memref<1x8x512xf32, #tpu.memory_space<hbm>> -> memref<8x512xf32, #tpu.memory_space<hbm>>
      %dma_start3A_294 = arith.constant 0 : i32
      %dma_start3A_295 = arith.constant 0 : i32
      %dma_start3A_296 = tpu.memref_slice %arg7[%run_scoped3A_279, %dma_start3A_294, %dma_start3A_295] : memref<8x8x512xf32, #tpu.memory_space<vmem>> -> memref<1x8x512xf32, #tpu.memory_space<vmem>>
      %dma_start3A_297 = tpu.memref_squeeze %dma_start3A_296 : memref<1x8x512xf32, #tpu.memory_space<vmem>> -> memref<8x512xf32, #tpu.memory_space<vmem>>
      tpu.enqueue_dma source(%dma_start3A_297 : memref<8x512xf32, #tpu.memory_space<vmem>>) target(%dma_start3A_293 : memref<8x512xf32, #tpu.memory_space<hbm>>) target_semaphore(%run_scoped3A_283 : memref<!tpu.dma_semaphore, #tpu.memory_space<semaphore_mem>>)
      %dma_wait3A_298 = arith.constant 0 : i32
      %dma_wait3A_299 = arith.constant 0 : i32
      %dma_wait3A_300 = tpu.memref_slice %arg7[%run_scoped3A_279, %dma_wait3A_298, %dma_wait3A_299] : memref<8x8x512xf32, #tpu.memory_space<vmem>> -> memref<1x8x512xf32, #tpu.memory_space<vmem>>
      %dma_wait3A_301 = tpu.memref_squeeze %dma_wait3A_300 : memref<1x8x512xf32, #tpu.memory_space<vmem>> -> memref<8x512xf32, #tpu.memory_space<vmem>>
      %dma_wait3A_302 = arith.constant 0 : i32
      %dma_wait3A_303 = tpu.memref_slice %arg4[%run_scoped3A_280, %dma_wait3A_302, %mul3A_2] : memref<8x8x16384xf32, #tpu.memory_space<hbm>> -> memref<1x8x512xf32, #tpu.memory_space<hbm>>
      %dma_wait3A_304 = tpu.memref_squeeze %dma_wait3A_303 : memref<1x8x512xf32, #tpu.memory_space<hbm>> -> memref<8x512xf32, #tpu.memory_space<hbm>>
      %dma_wait3A_305 = arith.constant 0 : i32
      %dma_wait3A_306 = tpu.memref_slice %arg4[%run_scoped3A_280, %dma_wait3A_305, %mul3A_2] : memref<8x8x16384xf32, #tpu.memory_space<hbm>> -> memref<1x8x512xf32, #tpu.memory_space<hbm>>
      %dma_wait3A_307 = tpu.memref_squeeze %dma_wait3A_306 : memref<1x8x512xf32, #tpu.memory_space<hbm>> -> memref<8x512xf32, #tpu.memory_space<hbm>>
      %dma_wait3A_308 = arith.constant 0 : i32
      %dma_wait3A_309 = arith.constant 0 : i32
      %dma_wait3A_310 = tpu.memref_slice %arg7[%run_scoped3A_279, %dma_wait3A_308, %dma_wait3A_309] : memref<8x8x512xf32, #tpu.memory_space<vmem>> -> memref<1x8x512xf32, #tpu.memory_space<vmem>>
      %dma_wait3A_311 = tpu.memref_squeeze %dma_wait3A_310 : memref<1x8x512xf32, #tpu.memory_space<vmem>> -> memref<8x512xf32, #tpu.memory_space<vmem>>
      tpu.wait_dma2 semaphore(%run_scoped3A_283 : memref<!tpu.dma_semaphore, #tpu.memory_space<semaphore_mem>>) src(%dma_wait3A_311 : memref<8x512xf32, #tpu.memory_space<vmem>>) dst(%dma_wait3A_307 : memref<8x512xf32, #tpu.memory_space<hbm>>)
      tpu.yield
    }) : () -> ()
    %run_scoped3A_281 = arith.constant 7 : i32
    %run_scoped3A_282 = arith.constant 7 : i32
    "tpu.region"() ({
      %run_scoped3A_283 = tpu.sem_alloc : memref<!tpu.dma_semaphore, #tpu.memory_space<semaphore_mem>>
      %dma_start3A_284 = arith.constant 0 : i32
      %dma_start3A_285 = arith.constant 0 : i32
      %dma_start3A_286 = tpu.memref_slice %arg7[%run_scoped3A_281, %dma_start3A_284, %dma_start3A_285] : memref<8x8x512xf32, #tpu.memory_space<vmem>> -> memref<1x8x512xf32, #tpu.memory_space<vmem>>
      %dma_start3A_287 = tpu.memref_squeeze %dma_start3A_286 : memref<1x8x512xf32, #tpu.memory_space<vmem>> -> memref<8x512xf32, #tpu.memory_space<vmem>>
      %dma_start3A_288 = arith.constant 0 : i32
      %dma_start3A_289 = tpu.memref_slice %arg4[%run_scoped3A_282, %dma_start3A_288, %mul3A_2] : memref<8x8x16384xf32, #tpu.memory_space<hbm>> -> memref<1x8x512xf32, #tpu.memory_space<hbm>>
      %dma_start3A_290 = tpu.memref_squeeze %dma_start3A_289 : memref<1x8x512xf32, #tpu.memory_space<hbm>> -> memref<8x512xf32, #tpu.memory_space<hbm>>
      %dma_start3A_291 = arith.constant 0 : i32
      %dma_start3A_292 = tpu.memref_slice %arg4[%run_scoped3A_282, %dma_start3A_291, %mul3A_2] : memref<8x8x16384xf32, #tpu.memory_space<hbm>> -> memref<1x8x512xf32, #tpu.memory_space<hbm>>
      %dma_start3A_293 = tpu.memref_squeeze %dma_start3A_292 : memref<1x8x512xf32, #tpu.memory_space<hbm>> -> memref<8x512xf32, #tpu.memory_space<hbm>>
      %dma_start3A_294 = arith.constant 0 : i32
      %dma_start3A_295 = arith.constant 0 : i32
      %dma_start3A_296 = tpu.memref_slice %arg7[%run_scoped3A_281, %dma_start3A_294, %dma_start3A_295] : memref<8x8x512xf32, #tpu.memory_space<vmem>> -> memref<1x8x512xf32, #tpu.memory_space<vmem>>
      %dma_start3A_297 = tpu.memref_squeeze %dma_start3A_296 : memref<1x8x512xf32, #tpu.memory_space<vmem>> -> memref<8x512xf32, #tpu.memory_space<vmem>>
      tpu.enqueue_dma source(%dma_start3A_297 : memref<8x512xf32, #tpu.memory_space<vmem>>) target(%dma_start3A_293 : memref<8x512xf32, #tpu.memory_space<hbm>>) target_semaphore(%run_scoped3A_283 : memref<!tpu.dma_semaphore, #tpu.memory_space<semaphore_mem>>)
      %dma_wait3A_298 = arith.constant 0 : i32
      %dma_wait3A_299 = arith.constant 0 : i32
      %dma_wait3A_300 = tpu.memref_slice %arg7[%run_scoped3A_281, %dma_wait3A_298, %dma_wait3A_299] : memref<8x8x512xf32, #tpu.memory_space<vmem>> -> memref<1x8x512xf32, #tpu.memory_space<vmem>>
      %dma_wait3A_301 = tpu.memref_squeeze %dma_wait3A_300 : memref<1x8x512xf32, #tpu.memory_space<vmem>> -> memref<8x512xf32, #tpu.memory_space<vmem>>
      %dma_wait3A_302 = arith.constant 0 : i32
      %dma_wait3A_303 = tpu.memref_slice %arg4[%run_scoped3A_282, %dma_wait3A_302, %mul3A_2] : memref<8x8x16384xf32, #tpu.memory_space<hbm>> -> memref<1x8x512xf32, #tpu.memory_space<hbm>>
      %dma_wait3A_304 = tpu.memref_squeeze %dma_wait3A_303 : memref<1x8x512xf32, #tpu.memory_space<hbm>> -> memref<8x512xf32, #tpu.memory_space<hbm>>
      %dma_wait3A_305 = arith.constant 0 : i32
      %dma_wait3A_306 = tpu.memref_slice %arg4[%run_scoped3A_282, %dma_wait3A_305, %mul3A_2] : memref<8x8x16384xf32, #tpu.memory_space<hbm>> -> memref<1x8x512xf32, #tpu.memory_space<hbm>>
      %dma_wait3A_307 = tpu.memref_squeeze %dma_wait3A_306 : memref<1x8x512xf32, #tpu.memory_space<hbm>> -> memref<8x512xf32, #tpu.memory_space<hbm>>
      %dma_wait3A_308 = arith.constant 0 : i32
      %dma_wait3A_309 = arith.constant 0 : i32
      %dma_wait3A_310 = tpu.memref_slice %arg7[%run_scoped3A_281, %dma_wait3A_308, %dma_wait3A_309] : memref<8x8x512xf32, #tpu.memory_space<vmem>> -> memref<1x8x512xf32, #tpu.memory_space<vmem>>
      %dma_wait3A_311 = tpu.memref_squeeze %dma_wait3A_310 : memref<1x8x512xf32, #tpu.memory_space<vmem>> -> memref<8x512xf32, #tpu.memory_space<vmem>>
      tpu.wait_dma2 semaphore(%run_scoped3A_283 : memref<!tpu.dma_semaphore, #tpu.memory_space<semaphore_mem>>) src(%dma_wait3A_311 : memref<8x512xf32, #tpu.memory_space<vmem>>) dst(%dma_wait3A_307 : memref<8x512xf32, #tpu.memory_space<hbm>>)
      tpu.yield
    }) : () -> ()
    return
  }
}

</mosaic_0001>

<sc_bundles>
// kernel: kernel.3.cloned.1.call-start
scs
__scs_entry_jumppad:
0x0: {  	(pc) =	sbr.rel $0x88, $3  }
0x1: {  	(tag) =	ssettag $0x0;
	lr =	simm.s32 $0x1  }
0x2: {  	[smem:$0x3F9F] =	sst lr;
	_ =	strace $0xD0000000  }
0x3: {  	_ = 	snop  }
0x4: {  	_ = 	snop  }
0x5: {  	_ = 	snop  }
0x6: {  	_ = 	snop  }
0x7: {  	_ = 	snop  }
__scs_overlays_trampoline_lowered:
0x8: {  	[smem:$0x3FAE] =	sst s0  }
0x9: {  	[smem:$0x3FAF] =	sst s1  }
0xa: {  	[smem:$0x3FB0] =	sst s2  }
0xb: {  	[smem:$0x3FB1] =	sst s3  }
0xc: {  	[smem:$0x3FB2] =	sst s4  }
0xd: {  	[smem:$0x3FB3] =	sst s5  }
0xe: {  	[smem:$0x3FB4] =	sst s6  }
0xf: {  	[smem:$0x3FB5] =	sst s7  }
0x10: {  	[smem:$0x3FB6] =	sst s8  }
0x11: {  	[smem:$0x3FB7] =	sst s9;
	s0 =	simm.s32 @!p0 $0x0  }
0x12: {  	s1 =	sld [smem:$0x3F9D];
	s0 =	simm.s32 @p0 $0x1  }
0x13: {  	[smem:$0x3FB8] =	sst s0;
	s0 =	simm.s32 @!p1 $0x0  }
0x14: {  	s2 =	sld [smem:$0x3F9C];
	s0 =	simm.s32 @p1 $0x1  }
0x15: {  	[smem:$0x3FB9] =	sst s0;
	s0 =	simm.s32 @!p2 $0x0  }
0x16: {  	s3 =	sld [smem:$0x3FDB];
	s0 =	simm.s32 @p2 $0x1  }
0x17: {  	s4 =	simm.s32 $0x1BF5;
	[smem:$0x3FBB] =	sst s0  }
0x18: {  	s0 =	sld [smem:$0x3F9E];
	_ =	swait.ge [sflag:s4], $0x0  }
0x19: {  	s7 =	sld [smem:$0x3F9F]  }
0x1a: {  	s8 =	sadd.s32 $0xFFFFE003, lr  }
0x1b: {  	s9 =	sadd.s32 $0xFFFFFEF7, lr;
	s5 =	simm.s32 $0xFFFFFFFF;
	p2 =	slt.u32 s8, $0xFFFFF086  }
0x1c: {  	p1 =	slt.u32 s9, $0xF7A;
	s5 =	simm.s32 @!p2 $0x0  }
0x1d: {  	s5 =	simm.s32 @p1 $0x1;
	p0 =	seq.s32 s7, s2  }
0x1e: {  	s7 =	smul.u32 @!p0 $0xF7A, s2;
	p2 =	seq.s32 @!p0 s5, $0x0  }
0x1f: {  	s9 =	smul.u32 $0xF7A, s1;
	s8 =	simm.s32 @!p0 $0x1BF5;
	p2 =	por !p2, p0  }
0x20: {  	[sflag:s8] =	ssyncset.s32 @!p0 $0xFFFFF086;
	s6 =	sadd.s32 @!p0 s3, s7;
	s7 =	simm.s32 @!p0 $0x108  }
0x21: {  	s3 =	sadd.s32 s3, s9;
	s6 =	sadd.s32 @!p0 $0x88, s6;
	s7 =	simm.s32 @p2 $0x1082  }
0x22: {  	[simem:s7], [sflag:s8] =	dma.local @!p0 [hbm:s6], $0xF7A  }
0x23: {  	s9 =	sor.u32 $0xD0000000, s2;
	s6 =	simm.s32 $0x108;
	_ =	swait.ge @!p0 [sflag:s8], $0x0  }
0x24: {  	s3 =	sadd.s32 $0x88, s3;
	s6 =	simm.s32 @!p1 $0x1082;
	[sflag:s4] =	ssyncset.s32 $0xFFFFF086  }
0x25: {  	[simem:s6], [sflag:s4] =	dma.local [hbm:s3], $0xF7A  }
0x26: {  	[smem:$0x3F9F] =	sst s1;
	(tag) =	ssettag s2;
	_ =	strace s9  }
0x27: {  	s1 =	sld [smem:$0x3FAF]  }
0x28: {  	s2 =	sld [smem:$0x3FB0]  }
0x29: {  	s4 =	sld [smem:$0x3FB2]  }
0x2a: {  	p0 =	seq.s32 s5, $0x0;
	s5 =	sld [smem:$0x3FB3]  }
0x2b: {  	s6 =	sld [smem:$0x3FB4]  }
0x2c: {  	s7 =	sld [smem:$0x3FB5]  }
0x2d: {  	s3 =	simm.s32 $0x108;
	s8 =	sld [smem:$0x3FB6]  }
0x2e: {  	s3 =	simm.s32 @!p0 $0x1082;
	s9 =	sld [smem:$0x3FB7]  }
0x2f: {  	lr =	sadd.s32 s0, s3;
	s0 =	sld [smem:$0x3FAE]  }
0x30: {  	s3 =	sld [smem:$0x3FB1]  }
0x31: {  	[smem:$0x3FBA] =	sst s10  }
0x32: {  	s10 =	sld [smem:$0x3FB8];
	_ =	sdelay $0x3  }
0x33: {  	p0 =	seq.s32 s10, $0x1;
	s10 =	sld [smem:$0x3FBA];
	_ =	sdelay $0x3  }
0x34: {  	[smem:$0x3FBA] =	sst s10  }
0x35: {  	s10 =	sld [smem:$0x3FB9];
	_ =	sdelay $0x3  }
0x36: {  	p1 =	seq.s32 s10, $0x1;
	s10 =	sld [smem:$0x3FBA];
	_ =	sdelay $0x3  }
0x37: {  	[smem:$0x3FBA] =	sst s10  }
0x38: {  	s10 =	sld [smem:$0x3FBB]  }
0x39: {  	_ = 	snop;
	(pc) =	sbr.ind lr, $3  }
0x3a: {  	_ = 	snop  }
0x3b: {  	_ = 	snop  }
0x3c: {  	p2 =	seq.s32 s10, $0x1;
	s10 =	sld [smem:$0x3FBA]  }
0x3d: {  	_ =	shalt  }
0x3e: {  	_ =	shalt  }
0x3f: {  	_ =	shalt  }
0x40: {  	_ =	shalt  }
0x41: {  	_ =	shalt  }
0x42: {  	_ =	shalt  }
0x43: {  	_ =	shalt  }
0x44: {  	_ =	shalt  }
0x45: {  	_ =	shalt  }
0x46: {  	_ =	shalt  }
0x47: {  	_ =	shalt  }
0x48: {  	_ =	shalt  }
0x49: {  	_ =	shalt  }
0x4a: {  	_ =	shalt  }
0x4b: {  	_ =	shalt  }
0x4c: {  	_ =	shalt  }
0x4d: {  	_ =	shalt  }
0x4e: {  	_ =	shalt  }
0x4f: {  	_ =	shalt  }
0x50: {  	_ =	shalt  }
0x51: {  	_ =	shalt  }
0x52: {  	_ =	shalt  }
0x53: {  	_ =	shalt  }
0x54: {  	_ =	shalt  }
0x55: {  	_ =	shalt  }
0x56: {  	_ =	shalt  }
0x57: {  	_ =	shalt  }
0x58: {  	_ =	shalt  }
0x59: {  	_ =	shalt  }
0x5a: {  	_ =	shalt  }
0x5b: {  	_ =	shalt  }
0x5c: {  	_ =	shalt  }
0x5d: {  	_ =	shalt  }
0x5e: {  	_ =	shalt  }
0x5f: {  	_ =	shalt  }
0x60: {  	_ =	shalt  }
0x61: {  	_ =	shalt  }
0x62: {  	_ =	shalt  }
0x63: {  	_ =	shalt  }
0x64: {  	_ =	shalt  }
0x65: {  	_ =	shalt  }
0x66: {  	_ =	shalt  }
0x67: {  	_ =	shalt  }
0x68: {  	_ =	shalt  }
0x69: {  	_ =	shalt  }
0x6a: {  	_ =	shalt  }
0x6b: {  	_ =	shalt  }
0x6c: {  	_ =	shalt  }
0x6d: {  	_ =	shalt  }
0x6e: {  	_ =	shalt  }
0x6f: {  	_ =	shalt  }
0x70: {  	_ =	shalt  }
0x71: {  	_ =	shalt  }
0x72: {  	_ =	shalt  }
0x73: {  	_ =	shalt  }
0x74: {  	_ =	shalt  }
0x75: {  	_ =	shalt  }
0x76: {  	_ =	shalt  }
0x77: {  	_ =	shalt  }
0x78: {  	_ =	shalt  }
0x79: {  	_ =	shalt  }
0x7a: {  	_ =	shalt  }
0x7b: {  	_ =	shalt  }
0x7c: {  	_ =	shalt  }
0x7d: {  	_ =	shalt  }
0x7e: {  	_ =	shalt  }
0x7f: {  	_ =	shalt  }
0x80: {  	_ =	shalt  }
0x81: {  	_ =	shalt  }
0x82: {  	_ =	shalt  }
0x83: {  	_ =	shalt  }
0x84: {  	_ =	shalt  }
0x85: {  	_ =	shalt  }
0x86: {  	_ =	shalt  }
0x87: {  	_ =	shalt  }
.Lfunc_end0:
.L_simem_size_0:
called_computation_lowered:
.L_overlay_start_0:
0x88: {  	s2 =	sld [smem:$0x3FD9]  }
0x89: {  	s3 =	sld [smem:$0x3FFE];
	_ =	sdelay $0x1  }
0x8a: {  	s1 =	srdreg.scid  }
0x8b: {  	s0 =	sand.u32 $0x1, s1  }
0x8c: {  	s18 =	sshll.u32 s0, $0xA;
	s2 =	sadd.s32 s3, s2  }
0x8d: {  	s2 =	sadd.s32 s2, s18  }
0x8e: {  	[smem:$0x3FC6] =	sst s2  }
0x8f: {  	_ = 	snop  }
0x90: {  	s2 =	sld [smem:$0x3FC9]  }
0x91: {  	s19 =	sld [smem:$0x3FC8]  }
0x92: {  	s4 =	sld [smem:$0x3FD0];
	(tm) =	ssettm $0x1  }
0x93: {  	s5 =	sld [smem:$0x3FFB];
	_ =	sdelay $0x3  }
0x94: {  	_ =	strace s5  }
0x95: {  	s5 =	sld [smem:$0x3FFC];
	_ =	sdelay $0x3  }
0x96: {  	_ =	strace s5  }
0x97: {  	s5 =	sld [smem:$0x3FFD];
	_ =	sdelay $0x3  }
0x98: {  	_ =	strace s5  }
0x99: {  	_ =	strace $0x8FFFFFFF  }
0x9a: {  	s20 =	sld [smem:$0x3FDB];
	_ =	sdelay $0x1  }
0x9b: {  	s6 =	simm.s32 $_scs_section_size  }
0x9c: {  	s7 =	simm.s32 $_size__tile_overlayer_lowered;
	s8 =	simm.s32 $_tile_overlayer_lowered  }
0x9d: {  	s23 =	simm.s32 $0x1BFF;
	s22 =	sshll.u32 s8, $0x1;
	s5 =	sadd.s32 s6, s20  }
0x9e: {  	s9 =	simm.s32 $0x0;
	s21 =	sshll.u32 s7, $0x1;
	s7 =	sadd.s32 s22, s5  }
0x9f: {  	[timem:s9], [sflag:s23] =	dma.local [hbm:s7], s21  }
0xa0: {  	_ =	swait.ge [sflag:s23], s21  }
0xa1: {  	s6 =	ssub.s32 $0x0, s21;
	[sflag:s23] =	ssyncset.done $0x0  }
0xa2: {  	[sflag:s23] =	ssyncadd.s32 s6;
	_ =	sdelay $0x1  }
0xa3: {  	s24 =	simm.s32 $0x1B8B  }
0xa4: {  	_ =	swait.ge [sflag:s24], $0x1  }
0xa5: {  	[sflag:s24] =	ssyncset.done $0x0  }
0xa6: {  	s25 =	simm.s32 $0x1B8E;
	[sflag:s24] =	ssyncadd.s32 $0xFFFFFFFF  }
0xa7: {  	s26 =	simm.s32 $execute0_lowered;
	[smem:$0x3FD2] =	sst s25  }
0xa8: {  	s6 =	sshll.u32 s26, $0x1;
	_ =	strace $0x80000046;
	[dreg:$0x1] =	wrdreg $0xFFFFFFFF  }
0xa9: {  	s28 =	simm.s32 $_size_execute0_lowered;
	s5 =	sadd.s32 s5, s6;
	[dreg:$0x0] =	wrdreg $0x0  }
0xaa: {  	s6 =	sshll.u32 s28, $0x1;
	[dreg:$0x2] =	wrdreg s5  }
0xab: {  	[dreg:$0x3] =	wrdreg s6  }
0xac: {  	[dreg:$0x4] =	wrdreg $0xC0  }
0xad: {  	_ =	task [dreg:s9], $0x5FFFF  }
0xae: {  	[dreg:$0x1] =	wrdreg $0xFFFFFFFF  }
0xaf: {  	[dreg:$0x0] =	wrdreg $0x60  }
0xb0: {  	[dreg:$0x2] =	wrdreg s2  }
0xb1: {  	[dreg:$0x3] =	wrdreg s19  }
0xb2: {  	[dreg:$0x4] =	wrdreg s4  }
0xb3: {  	[dreg:$0x5] =	wrdreg $0x9  }
0xb4: {  	_ =	task.clear_ibuf [dreg:s9], $0x6FFFF;
	_ =	strace $0x90000046  }
0xb5: {  	s29 =	simm.s32 $0x9;
	_ =	strace $0x80000048  }
0xb6: {  	_ =	swait.ge [sflag:s29], $0x1  }
0xb7: {  	[sflag:s29] =	ssyncadd.s32 $0xFFFFFFFF  }
0xb8: {  	_ =	strace $0x90000048  }
0xb9: {  	_ =	sfence  }
0xba: {  	s30 =	sld [smem:$0x0];
	_ =	sdelay $0x2  }
0xbb: {  	s31 =	sshll.u32 s1, $0xD;
	s1 =	sshrl.u32 s1, $0x2  }
0xbc: {  	s3 =	sand.u32 $0x4000, s31;
	s1 =	sadd.s32 s1, s30  }
0xbd: {  	s0 =	sor.u32 s3, s0;
	s1 =	sshll.u32 s1, $0x11  }
0xbe: {  	s0 =	sor.u32 s1, s0  }
0xbf: {  	s0 =	sadd.s32 $0x8F2B, s0  }
0xc0: {  	[sflag:s0] =	ssyncadd.remote.s32 $0x1  }
0xc1: {  	_ =	sfence.sel $0xFFFF  }
0xc2: {  	[dreg:$0x0] =	wrdreg $0xFFFFFFFF;
	(pc) =	sbr.abs _section_cstart, $3  }
0xc3: {  	[dreg:$0x1] =	wrdreg $0xFFFFFFFF  }
0xc4: {  	_ =	task.clear_ibuf [dreg:s9], $0x2FFFF;
	_ =	strace $0x9FFFFFFF  }
0xc5: {  	(tm) =	ssettm $0x7FFFFFFF  }
tec
execute0_lowered:
.L_overlay_start_1:
0x0: {  	(tag) =	ssettag $0x1  }
0x1: {  	v0 =	vlaneseq.u32;
	v1 =	vimm.s32 $0x1380  }
0x2: {  	vm14 =	vcmask $0x300;
	vm13 =	vcmask $0x704;
	vm12 =	vcmask $0xB08  }
0x3: {  	v2 =	vimm.s32 $0x3380;
	vm11 =	vcmask $0xF0C;
	vm10 =	vcmask $0x1310  }
0x4: {  	vm9 =	vcmask $0x1714;
	vm8 =	vcmask $0x1B18;
	vm7 =	vcmask $0x1F1C  }
0x5: {  	vm6 =	vcmask $0x2320;
	vm5 =	vcmask $0x2724;
	vm4 =	vcmask $0x2B28  }
0x6: {  	vm3 =	vcmask $0x2F2C;
	vm2 =	vcmask $0x3330;
	vm1 =	vcmask $0x3734  }
0x7: {  	vm0 =	vcmask $0x3B38;
	v4 =	vimm.s32 $0x5380;
	v6 =	vimm.s32 $0x7380  }
0x8: {  	v7 =	vimm.s32 $0x1FFC;
	v10 =	vimm.s32 $0x3FFC;
	v12 =	vimm.s32 $0x5FFC  }
0x9: {  	v13 =	vimm.s32 $0x7FFC;
	v16 =	vimm.s32 $0x1FFD;
	v18 =	vimm.s32 $0x3FFD  }
0xa: {  	v19 =	vimm.s32 $0x5FFD;
	v22 =	vimm.s32 $0x7FFD;
	v24 =	vimm.s32 $0x1FFE  }
0xb: {  	v25 =	vimm.s32 $0x3FFE;
	v28 =	vimm.s32 $0x5FFE;
	v30 =	vimm.s32 $0x7FFE  }
0xc: {  	v31 =	vimm.s32 $0x1FFF;
	v35 =	vimm.s32 $0x3FFF;
	v36 =	vimm.s32 $0x5FFF  }
0xd: {  	v37 =	vimm.s32 $0x7FFF;
	v0 =	vmul.u32 $0x80, v0;
	v1 =	vsel vm14, $0x0, v1  }
0xe: {  	v2 =	vsel vm14, $0x2000, v2;
	v5 =	vsel vm14, $0x4000, v4;
	v6 =	vsel vm14, $0x6000, v6  }
0xf: {  	v7 =	vsel vm14, $0xC7C, v7;
	v11 =	vsel vm14, $0x2C7C, v10;
	v12 =	vsel vm14, $0x4C7C, v12  }
0x10: {  	v13 =	vsel vm14, $0x6C7C, v13;
	v17 =	vsel vm14, $0xC7D, v16;
	v18 =	vsel vm14, $0x2C7D, v18  }
0x11: {  	v19 =	vsel vm14, $0x4C7D, v19;
	v23 =	vsel vm14, $0x6C7D, v22;
	v24 =	vsel vm14, $0xC7E, v24  }
0x12: {  	v25 =	vsel vm14, $0x2C7E, v25;
	v29 =	vsel vm14, $0x4C7E, v28;
	v30 =	vsel vm14, $0x6C7E, v30  }
0x13: {  	v31 =	vsel vm14, $0xC7F, v31;
	v35 =	vsel vm14, $0x2C7F, v35;
	v36 =	vsel vm14, $0x4C7F, v36  }
0x14: {  	v37 =	vsel vm14, $0x6C7F, v37;
	v1 =	vsel vm13, $0x80, v1;
	v2 =	vsel vm13, $0x2080, v2  }
0x15: {  	v5 =	vsel vm13, $0x4080, v5;
	v6 =	vsel vm13, $0x6080, v6;
	v7 =	vsel vm13, $0xCFC, v7  }
0x16: {  	v11 =	vsel vm13, $0x2CFC, v11;
	v12 =	vsel vm13, $0x4CFC, v12;
	v13 =	vsel vm13, $0x6CFC, v13  }
0x17: {  	v17 =	vsel vm13, $0xCFD, v17;
	v18 =	vsel vm13, $0x2CFD, v18;
	v19 =	vsel vm13, $0x4CFD, v19  }
0x18: {  	v23 =	vsel vm13, $0x6CFD, v23;
	v24 =	vsel vm13, $0xCFE, v24;
	v25 =	vsel vm13, $0x2CFE, v25  }
0x19: {  	v29 =	vsel vm13, $0x4CFE, v29;
	v30 =	vsel vm13, $0x6CFE, v30;
	v31 =	vsel vm13, $0xCFF, v31  }
0x1a: {  	v35 =	vsel vm13, $0x2CFF, v35;
	v36 =	vsel vm13, $0x4CFF, v36;
	v37 =	vsel vm13, $0x6CFF, v37  }
0x1b: {  	v1 =	vsel vm12, $0x100, v1;
	v2 =	vsel vm12, $0x2100, v2;
	v4 =	vor.u32 $0x1000, v0  }
0x1c: {  	v5 =	vsel vm12, $0x4100, v5;
	v6 =	vsel vm12, $0x6100, v6;
	v7 =	vsel vm12, $0xD7C, v7  }
0x1d: {  	v10 =	vor.u32 $0x8800, v0;
	v11 =	vsel vm12, $0x2D7C, v11;
	v12 =	vsel vm12, $0x4D7C, v12  }
0x1e: {  	v13 =	vsel vm12, $0x6D7C, v13;
	v16 =	vor.u32 $0xA000, v0;
	v17 =	vsel vm12, $0xD7D, v17  }
0x1f: {  	v18 =	vsel vm12, $0x2D7D, v18;
	v19 =	vsel vm12, $0x4D7D, v19;
	v22 =	vor.u32 $0xB800, v0  }
0x20: {  	v23 =	vsel vm12, $0x6D7D, v23;
	v24 =	vsel vm12, $0xD7E, v24;
	v25 =	vsel vm12, $0x2D7E, v25  }
0x21: {  	v28 =	vor.u32 $0xD000, v0;
	v29 =	vsel vm12, $0x4D7E, v29;
	v30 =	vsel vm12, $0x6D7E, v30  }
0x22: {  	v31 =	vsel vm12, $0xD7F, v31;
	v34 =	vor.u32 $0xE800, v0;
	v35 =	vsel vm12, $0x2D7F, v35  }
0x23: {  	v36 =	vsel vm12, $0x4D7F, v36;
	v37 =	vsel vm12, $0x6D7F, v37;
	v1 =	vsel vm11, $0x180, v1  }
0x24: {  	v2 =	vsel vm11, $0x2180, v2;
	v5 =	vsel vm11, $0x4180, v5;
	v6 =	vsel vm11, $0x6180, v6  }
0x25: {  	v7 =	vsel vm11, $0xDFC, v7;
	v11 =	vsel vm11, $0x2DFC, v11;
	v12 =	vsel vm11, $0x4DFC, v12  }
0x26: {  	v13 =	vsel vm11, $0x6DFC, v13;
	v17 =	vsel vm11, $0xDFD, v17;
	v18 =	vsel vm11, $0x2DFD, v18  }
0x27: {  	v19 =	vsel vm11, $0x4DFD, v19;
	v23 =	vsel vm11, $0x6DFD, v23;
	v24 =	vsel vm11, $0xDFE, v24  }
0x28: {  	v25 =	vsel vm11, $0x2DFE, v25;
	v29 =	vsel vm11, $0x4DFE, v29;
	v30 =	vsel vm11, $0x6DFE, v30  }
0x29: {  	v31 =	vsel vm11, $0xDFF, v31;
	v35 =	vsel vm11, $0x2DFF, v35;
	v36 =	vsel vm11, $0x4DFF, v36  }
0x2a: {  	v37 =	vsel vm11, $0x6DFF, v37;
	v1 =	vsel vm10, $0x200, v1;
	v2 =	vsel vm10, $0x2200, v2  }
0x2b: {  	v5 =	vsel vm10, $0x4200, v5;
	v6 =	vsel vm10, $0x6200, v6;
	v7 =	vsel vm10, $0xE7C, v7  }
0x2c: {  	v11 =	vsel vm10, $0x2E7C, v11;
	v12 =	vsel vm10, $0x4E7C, v12;
	v13 =	vsel vm10, $0x6E7C, v13  }
0x2d: {  	v17 =	vsel vm10, $0xE7D, v17;
	v18 =	vsel vm10, $0x2E7D, v18;
	v19 =	vsel vm10, $0x4E7D, v19  }
0x2e: {  	v23 =	vsel vm10, $0x6E7D, v23;
	v24 =	vsel vm10, $0xE7E, v24;
	v25 =	vsel vm10, $0x2E7E, v25  }
0x2f: {  	v29 =	vsel vm10, $0x4E7E, v29;
	v30 =	vsel vm10, $0x6E7E, v30;
	v31 =	vsel vm10, $0xE7F, v31  }
0x30: {  	v35 =	vsel vm10, $0x2E7F, v35;
	v36 =	vsel vm10, $0x4E7F, v36;
	v37 =	vsel vm10, $0x6E7F, v37  }
0x31: {  	v1 =	vsel vm9, $0x280, v1;
	v2 =	vsel vm9, $0x2280, v2;
	v5 =	vsel vm9, $0x4280, v5  }
0x32: {  	v6 =	vsel vm9, $0x6280, v6;
	v7 =	vsel vm9, $0xEFC, v7;
	v11 =	vsel vm9, $0x2EFC, v11  }
0x33: {  	v12 =	vsel vm9, $0x4EFC, v12;
	v13 =	vsel vm9, $0x6EFC, v13;
	v17 =	vsel vm9, $0xEFD, v17  }
0x34: {  	v18 =	vsel vm9, $0x2EFD, v18;
	v19 =	vsel vm9, $0x4EFD, v19;
	v23 =	vsel vm9, $0x6EFD, v23  }
0x35: {  	v24 =	vsel vm9, $0xEFE, v24;
	v25 =	vsel vm9, $0x2EFE, v25;
	v29 =	vsel vm9, $0x4EFE, v29  }
0x36: {  	v30 =	vsel vm9, $0x6EFE, v30;
	v31 =	vsel vm9, $0xEFF, v31;
	v35 =	vsel vm9, $0x2EFF, v35  }
0x37: {  	v36 =	vsel vm9, $0x4EFF, v36;
	v37 =	vsel vm9, $0x6EFF, v37;
	v1 =	vsel vm8, $0x300, v1  }
0x38: {  	v2 =	vsel vm8, $0x2300, v2;
	v5 =	vsel vm8, $0x4300, v5;
	v6 =	vsel vm8, $0x6300, v6  }
0x39: {  	v7 =	vsel vm8, $0xF7C, v7;
	v11 =	vsel vm8, $0x2F7C, v11;
	v12 =	vsel vm8, $0x4F7C, v12  }
0x3a: {  	v13 =	vsel vm8, $0x6F7C, v13;
	v17 =	vsel vm8, $0xF7D, v17;
	v18 =	vsel vm8, $0x2F7D, v18  }
0x3b: {  	v19 =	vsel vm8, $0x4F7D, v19;
	v23 =	vsel vm8, $0x6F7D, v23;
	v24 =	vsel vm8, $0xF7E, v24  }
0x3c: {  	v25 =	vsel vm8, $0x2F7E, v25;
	v29 =	vsel vm8, $0x4F7E, v29;
	v30 =	vsel vm8, $0x6F7E, v30  }
0x3d: {  	v31 =	vsel vm8, $0xF7F, v31;
	v35 =	vsel vm8, $0x2F7F, v35;
	v36 =	vsel vm8, $0x4F7F, v36  }
0x3e: {  	v37 =	vsel vm8, $0x6F7F, v37;
	v1 =	vsel vm7, $0x380, v1;
	v2 =	vsel vm7, $0x2380, v2  }
0x3f: {  	v5 =	vsel vm7, $0x4380, v5;
	v6 =	vsel vm7, $0x6380, v6;
	v7 =	vsel vm7, $0xFFC, v7  }
0x40: {  	v11 =	vsel vm7, $0x2FFC, v11;
	v12 =	vsel vm7, $0x4FFC, v12;
	v13 =	vsel vm7, $0x6FFC, v13  }
0x41: {  	v17 =	vsel vm7, $0xFFD, v17;
	v18 =	vsel vm7, $0x2FFD, v18;
	v19 =	vsel vm7, $0x4FFD, v19  }
0x42: {  	v23 =	vsel vm7, $0x6FFD, v23;
	v24 =	vsel vm7, $0xFFE, v24;
	v25 =	vsel vm7, $0x2FFE, v25  }
0x43: {  	v29 =	vsel vm7, $0x4FFE, v29;
	v30 =	vsel vm7, $0x6FFE, v30;
	v31 =	vsel vm7, $0xFFF, v31  }
0x44: {  	v35 =	vsel vm7, $0x2FFF, v35;
	v36 =	vsel vm7, $0x4FFF, v36;
	v37 =	vsel vm7, $0x6FFF, v37  }
0x45: {  	v1 =	vsel vm6, $0x1000, v1;
	v2 =	vsel vm6, $0x3000, v2;
	v5 =	vsel vm6, $0x5000, v5  }
0x46: {  	v6 =	vsel vm6, $0x7000, v6;
	v7 =	vsel vm6, $0x1C7C, v7;
	v11 =	vsel vm6, $0x3C7C, v11  }
0x47: {  	v12 =	vsel vm6, $0x5C7C, v12;
	v13 =	vsel vm6, $0x7C7C, v13;
	v17 =	vsel vm6, $0x1C7D, v17  }
0x48: {  	v18 =	vsel vm6, $0x3C7D, v18;
	v19 =	vsel vm6, $0x5C7D, v19;
	v23 =	vsel vm6, $0x7C7D, v23  }
0x49: {  	v24 =	vsel vm6, $0x1C7E, v24;
	v25 =	vsel vm6, $0x3C7E, v25;
	v29 =	vsel vm6, $0x5C7E, v29  }
0x4a: {  	v30 =	vsel vm6, $0x7C7E, v30;
	v31 =	vsel vm6, $0x1C7F, v31;
	v35 =	vsel vm6, $0x3C7F, v35  }
0x4b: {  	v36 =	vsel vm6, $0x5C7F, v36;
	v37 =	vsel vm6, $0x7C7F, v37;
	v1 =	vsel vm5, $0x1080, v1  }
0x4c: {  	v2 =	vsel vm5, $0x3080, v2;
	v5 =	vsel vm5, $0x5080, v5;
	v6 =	vsel vm5, $0x7080, v6  }
0x4d: {  	v7 =	vsel vm5, $0x1CFC, v7;
	v11 =	vsel vm5, $0x3CFC, v11;
	v12 =	vsel vm5, $0x5CFC, v12  }
0x4e: {  	v13 =	vsel vm5, $0x7CFC, v13;
	v17 =	vsel vm5, $0x1CFD, v17;
	v18 =	vsel vm5, $0x3CFD, v18  }
0x4f: {  	v19 =	vsel vm5, $0x5CFD, v19;
	v23 =	vsel vm5, $0x7CFD, v23;
	v24 =	vsel vm5, $0x1CFE, v24  }
0x50: {  	v25 =	vsel vm5, $0x3CFE, v25;
	v29 =	vsel vm5, $0x5CFE, v29;
	v30 =	vsel vm5, $0x7CFE, v30  }
0x51: {  	v31 =	vsel vm5, $0x1CFF, v31;
	v35 =	vsel vm5, $0x3CFF, v35;
	v36 =	vsel vm5, $0x5CFF, v36  }
0x52: {  	v37 =	vsel vm5, $0x7CFF, v37;
	v1 =	vsel vm4, $0x1100, v1;
	v2 =	vsel vm4, $0x3100, v2  }
0x53: {  	v5 =	vsel vm4, $0x5100, v5;
	v6 =	vsel vm4, $0x7100, v6;
	v7 =	vsel vm4, $0x1D7C, v7  }
0x54: {  	v11 =	vsel vm4, $0x3D7C, v11;
	v12 =	vsel vm4, $0x5D7C, v12;
	v13 =	vsel vm4, $0x7D7C, v13  }
0x55: {  	v17 =	vsel vm4, $0x1D7D, v17;
	v18 =	vsel vm4, $0x3D7D, v18;
	v19 =	vsel vm4, $0x5D7D, v19  }
0x56: {  	v23 =	vsel vm4, $0x7D7D, v23;
	v24 =	vsel vm4, $0x1D7E, v24;
	v25 =	vsel vm4, $0x3D7E, v25  }
0x57: {  	v29 =	vsel vm4, $0x5D7E, v29;
	v30 =	vsel vm4, $0x7D7E, v30;
	v31 =	vsel vm4, $0x1D7F, v31  }
0x58: {  	v35 =	vsel vm4, $0x3D7F, v35;
	v36 =	vsel vm4, $0x5D7F, v36;
	v37 =	vsel vm4, $0x7D7F, v37  }
0x59: {  	v1 =	vsel vm3, $0x1180, v1;
	v2 =	vsel vm3, $0x3180, v2;
	v5 =	vsel vm3, $0x5180, v5  }
0x5a: {  	v6 =	vsel vm3, $0x7180, v6;
	v9 =	vsel vm3, $0x1DFC, v7;
	v11 =	vsel vm3, $0x3DFC, v11  }
0x5b: {  	v12 =	vsel vm3, $0x5DFC, v12;
	v15 =	vsel vm3, $0x7DFC, v13;
	v17 =	vsel vm3, $0x1DFD, v17  }
0x5c: {  	v18 =	vsel vm3, $0x3DFD, v18;
	v21 =	vsel vm3, $0x5DFD, v19;
	v23 =	vsel vm3, $0x7DFD, v23  }
0x5d: {  	v24 =	vsel vm3, $0x1DFE, v24;
	v27 =	vsel vm3, $0x3DFE, v25;
	v29 =	vsel vm3, $0x5DFE, v29  }
0x5e: {  	v30 =	vsel vm3, $0x7DFE, v30;
	v33 =	vsel vm3, $0x1DFF, v31;
	v35 =	vsel vm3, $0x3DFF, v35  }
0x5f: {  	v36 =	vsel vm3, $0x5DFF, v36;
	v37 =	vsel vm3, $0x7DFF, v37;
	v1 =	vsel vm2, $0x1200, v1  }
0x60: {  	v3 =	vsel vm2, $0x3200, v2;
	v2 =	vor.u32 $0x800, v0;
	v5 =	vsel vm2, $0x5200, v5  }
0x61: {  	v6 =	vsel vm2, $0x7200, v6;
	v9 =	vsel vm2, $0x1E7C, v9;
	v11 =	vsel vm2, $0x3E7C, v11  }
0x62: {  	v12 =	vsel vm2, $0x5E7C, v12;
	v15 =	vsel vm2, $0x7E7C, v15;
	v17 =	vsel vm2, $0x1E7D, v17  }
0x63: {  	v18 =	vsel vm2, $0x3E7D, v18;
	v21 =	vsel vm2, $0x5E7D, v21;
	v23 =	vsel vm2, $0x7E7D, v23  }
0x64: {  	v24 =	vsel vm2, $0x1E7E, v24;
	v27 =	vsel vm2, $0x3E7E, v27;
	v29 =	vsel vm2, $0x5E7E, v29  }
0x65: {  	v30 =	vsel vm2, $0x7E7E, v30;
	v33 =	vsel vm2, $0x1E7F, v33;
	v35 =	vsel vm2, $0x3E7F, v35  }
0x66: {  	v38 =	vsel vm2, $0x5E7F, v36;
	v37 =	vsel vm2, $0x7E7F, v37;
	v36 =	vor.u32 $0xF000, v0  }
0x67: {  	v1 =	vsel vm1, $0x1280, v1;
	v3 =	vsel vm1, $0x3280, v3;
	v5 =	vsel vm1, $0x5280, v5  }
0x68: {  	v8 =	vsel vm1, $0x7280, v6;
	v6 =	vor.u32 $0x1800, v0;
	v9 =	vsel vm1, $0x1EFC, v9  }
0x69: {  	v11 =	vsel vm1, $0x3EFC, v11;
	v14 =	vsel vm1, $0x5EFC, v12;
	v12 =	vor.u32 $0x9000, v0  }
0x6a: {  	v15 =	vsel vm1, $0x7EFC, v15;
	v17 =	vsel vm1, $0x1EFD, v17;
	v20 =	vsel vm1, $0x3EFD, v18  }
0x6b: {  	s1 =	rddreg [dreg:$0x0];
	v18 =	vor.u32 $0xA800, v0;
	v21 =	vsel vm1, $0x5EFD, v21;
	v23 =	vsel vm1, $0x7EFD, v23  }
0x6c: {  	s0 =	rddreg [dreg:$0x1];
	v26 =	vsel vm1, $0x1EFE, v24;
	v24 =	vor.u32 $0xC000, v0;
	v27 =	vsel vm1, $0x3EFE, v27  }
0x6d: {  	s2 =	rddreg [dreg:$0x2];
	s4 =	srdreg.scid;
	v29 =	vsel vm1, $0x5EFE, v29;
	v32 =	vsel vm1, $0x7EFE, v30;
	v30 =	vor.u32 $0xD800, v0  }
0x6e: {  	s3 =	simm.s32 $0x0;
	s5 =	stileid.u32;
	s15 =	simm.s32 $0x7A1400;
	v33 =	vsel vm1, $0x1EFF, v33;
	v35 =	vsel vm1, $0x3EFF, v35;
	v38 =	vsel vm1, $0x5EFF, v38  }
0x6f: {  	s14 =	simm.s32 $0x2;
	s16 =	simm.s32 $0x400;
	s17 =	simm.s32 $0x280;
	v39 =	vsel vm1, $0x7EFF, v37;
	v1 =	vsel vm0, $0x1300, v1;
	v3 =	vsel vm0, $0x3300, v3  }
0x70: {  	s21 =	simm.s32 $0x1;
	s22 =	simm.s32 $0x10280;
	s30 =	simm.s32 $0x17280;
	v5 =	vsel vm0, $0x5300, v5;
	v7 =	vsel vm0, $0x7300, v8;
	v8 =	vor.u32 $0x8000, v0  }
0x71: {  	s31 =	simm.s32 $0x0;
	s4 =	sand.u32 $0x1, s4;
	[smem:$0x7FF] =	sst s3;
	v9 =	vsel vm0, $0x1F7C, v9;
	v11 =	vsel vm0, $0x3F7C, v11;
	v13 =	vsel vm0, $0x5F7C, v14  }
0x72: {  	s5 =	sshll.u32 s5, $0xA;
	s6 =	sshll.u32 s4, $0x9;
	s7 =	ssub.s32 $0x2, s4;
	v14 =	vor.u32 $0x9800, v0;
	v15 =	vsel vm0, $0x7F7C, v15;
	v17 =	vsel vm0, $0x1F7D, v17  }
0x73: {  	_ =	strace $0x80000047;
	s26 =	sor.u32 s6, s5;
	s28 =	sshrl.u32 s7, $0x1;
	v19 =	vsel vm0, $0x3F7D, v20;
	v20 =	vor.u32 $0xB000, v0;
	v21 =	vsel vm0, $0x5F7D, v21  }
0x74: {  	s6 =	sshrl.u32 s26, $0x3;
	s4 =	sadd.s32 s2, s26;
	s29 =	ssub.s32 s7, s28;
	v23 =	vsel vm0, $0x7F7D, v23;
	v25 =	vsel vm0, $0x1F7E, v26;
	v26 =	vor.u32 $0xC800, v0  }
0x75: {  	s5 =	sadd.s32 s1, s6;
	s6 =	sadd.s32 $0x4000, s4;
	s7 =	sadd.s32 $0x8000, s4;
	v27 =	vsel vm0, $0x3F7E, v27;
	v29 =	vsel vm0, $0x5F7E, v29;
	v31 =	vsel vm0, $0x7F7E, v32  }
0x76: {  	s8 =	sadd.s32 $0xC000, s4;
	s9 =	sadd.s32 $0x10000, s4;
	s10 =	sadd.s32 $0x14000, s4;
	v32 =	vor.u32 $0xE000, v0;
	v33 =	vsel vm0, $0x1F7F, v33;
	v35 =	vsel vm0, $0x3F7F, v35  }
0x77: {  	s11 =	sadd.s32 $0x18000, s4;
	s12 =	sadd.s32 $0x1C000, s4;
	s13 =	smax.u32 s29, $0x1;
	v37 =	vsel vm0, $0x5F7F, v38;
	v38 =	vor.u32 $0xF800, v0;
	v39 =	vsel vm0, $0x7F7F, v39  }
.LBB2_1:
0x78: {  	[tilespmem:s3], [sflag:$0x2] =	stream.linear.gather [hbm4b:s5+s3], $0x200, $0x38;
	[tilespmem:$0x18280] =	vst v63  }
0x79: {  	_ =	swait.ge [sflag:s14], $0x200  }
0x7a: {  	[sflag:s14] =	ssyncset.done $0x0  }
0x7b: {  	[sflag:s14] =	ssyncadd.s32 $0xFFFFFE00  }
0x7c: {  	v40 =	vld [tilespmem:$0x0];
	_ =	sdelay $0x4  }
0x7d: {  	v40 =	vadd.s32 $0xFFFFFFFF, v40  }
0x7e: {  	v40 =	vshrl.u32 v40, $0x7  }
0x7f: {  	v40 =	vshll.u32 v40, $0x7  }
0x80: {  	(v2sf) =	vpush v40, $0x0;
	_ =	sdelay $0x1  }
0x81: {  	(v2sf) =	vpush v40, $0x1;
	_ =	sdelay $0x2  }
0x82: {  	(v2sf) =	vpush v40, $0x2;
	_ =	sdelay $0x2  }
0x83: {  	(v2sf) =	vpush v40, $0x3;
	_ =	sdelay $0x6  }
0x84: {  	s1 =	spop (v2sf)  }
0x85: {  	s1 =	sand.u32 $0x1FFFFF80, s1  }
0x86: {  	s26 =	spop (v2sf);
	s1 =	sadd.s32 s0, s1  }
0x87: {  	[tilespmem:s17], [sflag:$0x1] =	stream.strided.gather [hbm4b:s1+s16], $0x2000, s15, s16, $0x38;
	[tilespmem:$0x18280] =	vst v63  }
0x88: {  	s1 =	sand.u32 $0x1FFFFF80, s26  }
0x89: {  	s2 =	simm.s32 $0x2280;
	s28 =	spop (v2sf);
	s1 =	sadd.s32 s0, s1  }
0x8a: {  	[tilespmem:s2], [sflag:$0x1] =	stream.strided.gather [hbm4b:s1+s16], $0x2000, s15, s16, $0x38;
	[tilespmem:$0x18280] =	vst v63  }
0x8b: {  	s1 =	sand.u32 $0x1FFFFF80, s28  }
0x8c: {  	s29 =	simm.s32 $0x4280;
	s18 =	spop (v2sf);
	s1 =	sadd.s32 s0, s1  }
0x8d: {  	[tilespmem:s29], [sflag:$0x1] =	stream.strided.gather [hbm4b:s1+s16], $0x2000, s15, s16, $0x38;
	[tilespmem:$0x18280] =	vst v63  }
0x8e: {  	s1 =	sand.u32 $0x1FFFFF80, s18  }
0x8f: {  	s19 =	simm.s32 $0x6280;
	s1 =	sadd.s32 s0, s1  }
0x90: {  	[tilespmem:s19], [sflag:$0x1] =	stream.strided.gather [hbm4b:s1+s16], $0x2000, s15, s16, $0x38;
	[tilespmem:$0x18280] =	vst v63  }
0x91: {  	s1 =	simm.s32 $0x4  }
0x92: {  	v46 =	vld [tilespmem:s1+$0x0];
	_ =	sdelay $0x4  }
0x93: {  	v40 =	vadd.s32 $0xFFFFFFFF, v46  }
0x94: {  	v40 =	vshrl.u32 v40, $0x7  }
0x95: {  	v40 =	vshll.u32 v40, $0x7  }
0x96: {  	(v2sf) =	vpush v40, $0x0  }
0x97: {  	(v2sf) =	vpush v40, $0x1  }
0x98: {  	(v2sf) =	vpush v40, $0x2;
	_ =	sdelay $0x1  }
0x99: {  	(v2sf) =	vpush v40, $0x3;
	_ =	sdelay $0x8  }
0x9a: {  	s20 =	simm.s32 $0x8000  }
0x9b: {  	s2 =	sand.u32 $0x8000, s20  }
0x9c: {  	s20 =	sor.u32 $0x2280, s2;
	s19 =	spop (v2sf)  }
0x9d: {  	s18 =	sor.u32 $0x280, s2;
	s19 =	sand.u32 $0x1FFFFF80, s19;
	s23 =	spop (v2sf)  }
0x9e: {  	s19 =	sadd.s32 s0, s19;
	s23 =	sand.u32 $0x1FFFFF80, s23;
	s24 =	spop (v2sf)  }
0x9f: {  	[tilespmem:s18], [sflag:$0x1] =	stream.strided.gather [hbm4b:s19+s16], $0x2000, s15, s16, $0x38;
	[tilespmem:$0x18280] =	vst v63  }
0xa0: {  	s23 =	sadd.s32 s0, s23;
	s25 =	sand.u32 $0x1FFFFF80, s24;
	s26 =	spop (v2sf)  }
0xa1: {  	[tilespmem:s20], [sflag:$0x1] =	stream.strided.gather [hbm4b:s23+s16], $0x2000, s15, s16, $0x38;
	[tilespmem:$0x18280] =	vst v63  }
0xa2: {  	s28 =	sor.u32 $0x4280, s2;
	s19 =	sadd.s32 s0, s25;
	s29 =	sand.u32 $0x1FFFFF80, s26  }
0xa3: {  	[tilespmem:s28], [sflag:$0x1] =	stream.strided.gather [hbm4b:s19+s16], $0x2000, s15, s16, $0x38;
	[tilespmem:$0x18280] =	vst v63  }
0xa4: {  	s2 =	sor.u32 $0x6280, s2;
	s19 =	sadd.s32 s0, s29  }
0xa5: {  	[tilespmem:s2], [sflag:$0x1] =	stream.strided.gather [hbm4b:s19+s16], $0x2000, s15, s16, $0x38;
	[tilespmem:$0x18280] =	vst v63  }
0xa6: {  	v47 =	vld [tilespmem:s1+$0xFFFFFFFC];
	_ =	sdelay $0x2  }
0xa7: {  	_ =	swait.ge [sflag:s21], $0x2000  }
0xa8: {  	s20 =	simm.s32 $0x0;
	[sflag:s21] =	ssyncset.done $0x0  }
0xa9: {  	s23 =	sand.u32 $0x4, s20;
	[sflag:s21] =	ssyncadd.s32 $0xFFFFE000;
	v40 =	vadd.s32 $0x7F, v47  }
0xaa: {  	s2 =	sshll.u32 s23, $0xD;
	_ =	swait.ge [sflag:s21], $0x2000;
	v40 =	vand.u32 $0x7F, v40  }
0xab: {  	[sflag:s21] =	ssyncset.done $0x0;
	v41 =	vor.u32 s2, v40  }
0xac: {  	[sflag:s21] =	ssyncadd.s32 $0xFFFFE000;
	v41 =	vbroadcast v41, $0x0  }
0xad: {  	_ =	swait.ge [sflag:s21], $0x2000  }
0xae: {  	[sflag:s21] =	ssyncset.done $0x0;
	v42 =	vor.u32 v0, v41  }
0xaf: {  	v43 =	vmov s20;
	[sflag:s21] =	ssyncadd.s32 $0xFFFFE000  }
0xb0: {  	v44 =	vshll.u32 v43, $0x3;
	_ =	swait.ge [sflag:s21], $0x2000  }
0xb1: {  	v43 =	vand.u32 $0x7C, v43;
	v44 =	vand.u32 $0xFFFFFC00, v44;
	[sflag:s21] =	ssyncset.done $0x0  }
0xb2: {  	v43 =	vor.u32 v43, v44;
	[sflag:s21] =	ssyncadd.s32 $0xFFFFE000  }
0xb3: {  	v44 =	vadd.s32 v1, v43;
	v42 =	vld.idx.msk [tilespmem:v42+s17+$0x0], $0xffff  }
0xb4: {  	v45 =	vor.u32 v2, v41;
	_ =	sdelay $0x3  }
0xb5: {  	[tilespmem:v44+s22+$0x0] =	vst.idx.msk $0xffff, v42  }
0xb6: {  	v48 =	vadd.s32 v3, v43;
	v44 =	vld.idx.msk [tilespmem:v45+s17+$0x0], $0xffff  }
0xb7: {  	v49 =	vor.u32 v4, v41;
	_ =	sdelay $0x3  }
0xb8: {  	[tilespmem:v48+s22+$0x0] =	vst.idx.msk $0xffff, v44  }
0xb9: {  	v50 =	vadd.s32 v5, v43;
	v44 =	vld.idx.msk [tilespmem:v49+s17+$0x0], $0xffff  }
0xba: {  	v41 =	vor.u32 v6, v41;
	_ =	sdelay $0x2  }
0xbb: {  	v51 =	vbroadcast v40, $0x1  }
0xbc: {  	s24 =	sor.u32 $0x2000, s2;
	[tilespmem:v50+s22+$0x0] =	vst.idx.msk $0xffff, v44  }
0xbd: {  	v43 =	vadd.s32 v7, v43;
	v52 =	vor.u32 s24, v51;
	v41 =	vld.idx.msk [tilespmem:v41+s17+$0x0], $0xffff  }
0xbe: {  	s25 =	simm.s32 $0x1;
	v53 =	vor.u32 v0, v52  }
0xbf: {  	v54 =	vmov s25  }
0xc0: {  	v46 =	vshll.u32 v54, $0x3  }
0xc1: {  	v46 =	vand.u32 $0xFFFFFC00, v46;
	v45 =	vand.u32 $0x7D, v54  }
0xc2: {  	v45 =	vor.u32 v45, v46;
	[tilespmem:v43+s22+$0x0] =	vst.idx.msk $0xffff, v41  }
0xc3: {  	v55 =	vadd.s32 v1, v45;
	v43 =	vld.idx.msk [tilespmem:v53+s17+$0x0], $0xffff  }
0xc4: {  	v56 =	vor.u32 v2, v52;
	_ =	sdelay $0x3  }
0xc5: {  	[tilespmem:v55+s22+$0x0] =	vst.idx.msk $0xffff, v43  }
0xc6: {  	v57 =	vadd.s32 v3, v45;
	v43 =	vld.idx.msk [tilespmem:v56+s17+$0x0], $0xffff  }
0xc7: {  	v58 =	vor.u32 v4, v52;
	_ =	sdelay $0x3  }
0xc8: {  	[tilespmem:v57+s22+$0x0] =	vst.idx.msk $0xffff, v43  }
0xc9: {  	v59 =	vadd.s32 v5, v45;
	v43 =	vld.idx.msk [tilespmem:v58+s17+$0x0], $0xffff  }
0xca: {  	v42 =	vor.u32 v6, v52;
	_ =	sdelay $0x2  }
0xcb: {  	v60 =	vbroadcast v40, $0x2  }
0xcc: {  	s26 =	sor.u32 $0x4000, s2;
	[tilespmem:v59+s22+$0x0] =	vst.idx.msk $0xffff, v43  }
0xcd: {  	v61 =	vor.u32 s26, v60;
	v62 =	vadd.s32 v7, v45;
	v42 =	vld.idx.msk [tilespmem:v42+s17+$0x0], $0xffff  }
0xce: {  	s28 =	simm.s32 $0x2;
	v44 =	vor.u32 v0, v61  }
0xcf: {  	v63 =	vmov s28  }
0xd0: {  	v48 =	vshll.u32 v63, $0x3  }
0xd1: {  	v45 =	vand.u32 $0x7E, v63;
	v46 =	vand.u32 $0xFFFFFC00, v48  }
0xd2: {  	v45 =	vor.u32 v45, v46;
	[tilespmem:v62+s22+$0x0] =	vst.idx.msk $0xffff, v42  }
0xd3: {  	v49 =	vadd.s32 v1, v45;
	v43 =	vld.idx.msk [tilespmem:v44+s17+$0x0], $0xffff  }
0xd4: {  	v50 =	vor.u32 v2, v61;
	_ =	sdelay $0x3  }
0xd5: {  	[tilespmem:v49+s22+$0x0] =	vst.idx.msk $0xffff, v43  }
0xd6: {  	v51 =	vadd.s32 v3, v45;
	v43 =	vld.idx.msk [tilespmem:v50+s17+$0x0], $0xffff  }
0xd7: {  	v52 =	vor.u32 v4, v61;
	_ =	sdelay $0x3  }
0xd8: {  	[tilespmem:v51+s22+$0x0] =	vst.idx.msk $0xffff, v43  }
0xd9: {  	v53 =	vadd.s32 v5, v45;
	v43 =	vld.idx.msk [tilespmem:v52+s17+$0x0], $0xffff  }
0xda: {  	v41 =	vor.u32 v6, v61;
	_ =	sdelay $0x2  }
0xdb: {  	v40 =	vbroadcast v40, $0x3  }
0xdc: {  	s2 =	sor.u32 $0x6000, s2;
	[tilespmem:v53+s22+$0x0] =	vst.idx.msk $0xffff, v43  }
0xdd: {  	v40 =	vor.u32 s2, v40;
	v54 =	vadd.s32 v7, v45;
	v41 =	vld.idx.msk [tilespmem:v41+s17+$0x0], $0xffff  }
0xde: {  	s29 =	simm.s32 $0x3;
	v55 =	vor.u32 v0, v40  }
0xdf: {  	v56 =	vmov s29  }
0xe0: {  	v57 =	vshll.u32 v56, $0x3  }
0xe1: {  	v45 =	vand.u32 $0xFFFFFC00, v57;
	v44 =	vand.u32 $0x7F, v56  }
0xe2: {  	v44 =	vor.u32 v44, v45;
	[tilespmem:v54+s22+$0x0] =	vst.idx.msk $0xffff, v41  }
0xe3: {  	v58 =	vadd.s32 v1, v44;
	v42 =	vld.idx.msk [tilespmem:v55+s17+$0x0], $0xffff  }
0xe4: {  	v59 =	vor.u32 v2, v40;
	_ =	sdelay $0x3  }
0xe5: {  	[tilespmem:v58+s22+$0x0] =	vst.idx.msk $0xffff, v42  }
0xe6: {  	v60 =	vadd.s32 v3, v44;
	v42 =	vld.idx.msk [tilespmem:v59+s17+$0x0], $0xffff  }
0xe7: {  	v61 =	vor.u32 v4, v40;
	_ =	sdelay $0x3  }
0xe8: {  	[tilespmem:v60+s22+$0x0] =	vst.idx.msk $0xffff, v42  }
0xe9: {  	v62 =	vadd.s32 v5, v44;
	v42 =	vld.idx.msk [tilespmem:v61+s17+$0x0], $0xffff  }
0xea: {  	v63 =	vor.u32 v6, v40;
	_ =	sdelay $0x3  }
0xeb: {  	[tilespmem:v62+s22+$0x0] =	vst.idx.msk $0xffff, v42  }
0xec: {  	s18 =	simm.s32 $0x7;
	s2 =	simm.s32 $0x20000;
	v40 =	vadd.s32 v7, v44;
	v41 =	vld.idx.msk [tilespmem:v63+s17+$0x0], $0xffff  }
.LBB2_2:
0xed: {  	_ = 	snop  }
0xee: {  	p0 =	sne.s32 s18, $0x1FB;
	s2 =	sadd.s32 $0x20000, s2;
	s1 =	sadd.s32 $0x4, s1  }
0xef: {  	s19 =	smov.u32 s18;
	s18 =	sadd.s32 $0x4, s18;
	_ =	sdelay $0x1  }
0xf0: {  	[tilespmem:v40+s22+$0x0] =	vst.idx.msk $0xffff, v41  }
0xf1: {  	v40 =	vld [tilespmem:s1+$0x0];
	_ =	sdelay $0x4  }
0xf2: {  	v40 =	vadd.s32 $0xFFFFFFFF, v40  }
0xf3: {  	v40 =	vshrl.u32 v40, $0x7  }
0xf4: {  	v40 =	vshll.u32 v40, $0x7  }
0xf5: {  	(v2sf) =	vpush v40, $0x0  }
0xf6: {  	(v2sf) =	vpush v40, $0x1  }
0xf7: {  	(v2sf) =	vpush v40, $0x2;
	_ =	sdelay $0x1  }
0xf8: {  	(v2sf) =	vpush v40, $0x3;
	_ =	sdelay $0x7  }
0xf9: {  	s20 =	sshrl.u32 s2, $0x2  }
0xfa: {  	s20 =	sand.u32 $0x8000, s20;
	_ =	sdelay $0x1  }
0xfb: {  	s23 =	sor.u32 $0x280, s20;
	s24 =	sor.u32 $0x6280, s20;
	s25 =	spop (v2sf)  }
0xfc: {  	s26 =	sor.u32 $0x2280, s20;
	s25 =	sand.u32 $0x1FFFFF80, s25;
	s28 =	spop (v2sf)  }
0xfd: {  	s25 =	sadd.s32 s0, s25;
	s28 =	sand.u32 $0x1FFFFF80, s28;
	s29 =	spop (v2sf)  }
0xfe: {  	[tilespmem:s23], [sflag:$0x1] =	stream.strided.gather [hbm4b:s25+s16], $0x2000, s15, s16, $0x38;
	[tilespmem:$0x18280] =	vst v63  }
0xff: {  	s23 =	sadd.s32 s0, s28;
	s25 =	sand.u32 $0x1FFFFF80, s29;
	s28 =	spop (v2sf)  }
0x100: {  	[tilespmem:s26], [sflag:$0x1] =	stream.strided.gather [hbm4b:s23+s16], $0x2000, s15, s16, $0x38;
	[tilespmem:$0x18280] =	vst v63  }
0x101: {  	s20 =	sor.u32 $0x4280, s20;
	s23 =	sadd.s32 s0, s25;
	s25 =	sand.u32 $0x1FFFFF80, s28  }
0x102: {  	[tilespmem:s20], [sflag:$0x1] =	stream.strided.gather [hbm4b:s23+s16], $0x2000, s15, s16, $0x38;
	[tilespmem:$0x18280] =	vst v63  }
0x103: {  	s20 =	sadd.s32 s0, s25  }
0x104: {  	[tilespmem:s24], [sflag:$0x1] =	stream.strided.gather [hbm4b:s20+s16], $0x2000, s15, s16, $0x38;
	[tilespmem:$0x18280] =	vst v63  }
0x105: {  	v40 =	vld [tilespmem:s1+$0xFFFFFFFC]  }
0x106: {  	_ =	swait.ge [sflag:s21], $0x2000  }
0x107: {  	[sflag:s21] =	ssyncset.done $0x0  }
0x108: {  	s20 =	sadd.s32 $0xFFFFFFFD, s19;
	[sflag:s21] =	ssyncadd.s32 $0xFFFFE000  }
0x109: {  	s23 =	sand.u32 $0x4, s20;
	v41 =	vmov s20;
	_ =	swait.ge [sflag:s21], $0x2000  }
0x10a: {  	s20 =	sshll.u32 s23, $0xD;
	v42 =	vshll.u32 v41, $0x3;
	v40 =	vadd.s32 $0x7F, v40;
	[sflag:s21] =	ssyncset.done $0x0  }
0x10b: {  	v41 =	vand.u32 $0x7C, v41;
	v42 =	vand.u32 $0xFFFFFC00, v42;
	v40 =	vand.u32 $0x7F, v40;
	[sflag:s21] =	ssyncadd.s32 $0xFFFFE000  }
0x10c: {  	v42 =	vor.u32 v41, v42;
	_ =	swait.ge [sflag:s21], $0x2000;
	v43 =	vor.u32 s20, v40;
	v41 =	vbroadcast v40, $0x1  }
0x10d: {  	s23 =	sor.u32 $0x2000, s20;
	v44 =	vbroadcast v40, $0x2;
	[sflag:s21] =	ssyncset.done $0x0;
	v43 =	vbroadcast v43, $0x0  }
0x10e: {  	v40 =	vbroadcast v40, $0x3;
	[sflag:s21] =	ssyncadd.s32 $0xFFFFE000;
	v45 =	vor.u32 s23, v41;
	s23 =	sor.u32 $0x4000, s20  }
0x10f: {  	s20 =	sor.u32 $0x6000, s20;
	_ =	swait.ge [sflag:s21], $0x2000;
	v46 =	vor.u32 v0, v43;
	v41 =	vor.u32 s23, v44  }
0x110: {  	v40 =	vor.u32 s20, v40;
	[sflag:s21] =	ssyncset.done $0x0  }
0x111: {  	[sflag:s21] =	ssyncadd.s32 $0xFFFFE000  }
0x112: {  	v44 =	vadd.s32 v1, v42  }
0x113: {  	v47 =	vor.u32 v2, v43  }
0x114: {  	v46 =	vld.idx.msk [tilespmem:v46+s17+$0x0], $0xffff;
	_ =	sdelay $0x4  }
0x115: {  	v48 =	vadd.s32 v3, v42  }
0x116: {  	[tilespmem:v44+s22+$0x0] =	vst.idx.msk $0xffff, v46;
	v44 =	vor.u32 v4, v43  }
0x117: {  	v46 =	vld.idx.msk [tilespmem:v47+s17+$0x0], $0xffff;
	_ =	sdelay $0x4  }
0x118: {  	v47 =	vadd.s32 v5, v42  }
0x119: {  	v43 =	vor.u32 v6, v43;
	[tilespmem:v48+s22+$0x0] =	vst.idx.msk $0xffff, v46  }
0x11a: {  	v44 =	vld.idx.msk [tilespmem:v44+s17+$0x0], $0xffff;
	_ =	sdelay $0x4  }
0x11b: {  	v42 =	vadd.s32 v7, v42  }
0x11c: {  	[tilespmem:v47+s22+$0x0] =	vst.idx.msk $0xffff, v44;
	v44 =	vor.u32 v0, v45  }
0x11d: {  	s20 =	sadd.s32 $0xFFFFFFFE, s19;
	v43 =	vld.idx.msk [tilespmem:v43+s17+$0x0], $0xffff  }
0x11e: {  	v46 =	vmov s20  }
0x11f: {  	v47 =	vshll.u32 v46, $0x3  }
0x120: {  	v46 =	vand.u32 $0x7D, v46;
	v47 =	vand.u32 $0xFFFFFC00, v47  }
0x121: {  	v46 =	vor.u32 v46, v47  }
0x122: {  	v47 =	vadd.s32 v1, v46  }
0x123: {  	[tilespmem:v42+s22+$0x0] =	vst.idx.msk $0xffff, v43;
	v42 =	vor.u32 v2, v45  }
0x124: {  	v43 =	vld.idx.msk [tilespmem:v44+s17+$0x0], $0xffff;
	_ =	sdelay $0x4  }
0x125: {  	v44 =	vadd.s32 v3, v46  }
0x126: {  	[tilespmem:v47+s22+$0x0] =	vst.idx.msk $0xffff, v43;
	v43 =	vor.u32 v4, v45  }
0x127: {  	v42 =	vld.idx.msk [tilespmem:v42+s17+$0x0], $0xffff;
	_ =	sdelay $0x4  }
0x128: {  	v47 =	vadd.s32 v5, v46  }
0x129: {  	[tilespmem:v44+s22+$0x0] =	vst.idx.msk $0xffff, v42;
	v42 =	vor.u32 v6, v45  }
0x12a: {  	v43 =	vld.idx.msk [tilespmem:v43+s17+$0x0], $0xffff;
	_ =	sdelay $0x4  }
0x12b: {  	v44 =	vadd.s32 v7, v46  }
0x12c: {  	[tilespmem:v47+s22+$0x0] =	vst.idx.msk $0xffff, v43;
	v43 =	vor.u32 v0, v41  }
0x12d: {  	s20 =	sadd.s32 $0xFFFFFFFF, s19;
	v42 =	vld.idx.msk [tilespmem:v42+s17+$0x0], $0xffff  }
0x12e: {  	v45 =	vmov s20  }
0x12f: {  	v46 =	vshll.u32 v45, $0x3  }
0x130: {  	v45 =	vand.u32 $0x7E, v45;
	v46 =	vand.u32 $0xFFFFFC00, v46  }
0x131: {  	v45 =	vor.u32 v45, v46  }
0x132: {  	v46 =	vadd.s32 v1, v45  }
0x133: {  	[tilespmem:v44+s22+$0x0] =	vst.idx.msk $0xffff, v42;
	v42 =	vor.u32 v2, v41  }
0x134: {  	v43 =	vld.idx.msk [tilespmem:v43+s17+$0x0], $0xffff;
	_ =	sdelay $0x4  }
0x135: {  	v44 =	vadd.s32 v3, v45  }
0x136: {  	[tilespmem:v46+s22+$0x0] =	vst.idx.msk $0xffff, v43;
	v43 =	vor.u32 v4, v41  }
0x137: {  	v42 =	vld.idx.msk [tilespmem:v42+s17+$0x0], $0xffff;
	_ =	sdelay $0x4  }
0x138: {  	v46 =	vadd.s32 v5, v45  }
0x139: {  	v41 =	vor.u32 v6, v41;
	[tilespmem:v44+s22+$0x0] =	vst.idx.msk $0xffff, v42  }
0x13a: {  	v42 =	vld.idx.msk [tilespmem:v43+s17+$0x0], $0xffff;
	_ =	sdelay $0x4  }
0x13b: {  	v43 =	vadd.s32 v7, v45  }
0x13c: {  	[tilespmem:v46+s22+$0x0] =	vst.idx.msk $0xffff, v42;
	v42 =	vor.u32 v0, v40  }
0x13d: {  	v41 =	vld.idx.msk [tilespmem:v41+s17+$0x0], $0xffff  }
0x13e: {  	v44 =	vmov s19  }
0x13f: {  	v45 =	vshll.u32 v44, $0x3  }
0x140: {  	v44 =	vand.u32 $0x7F, v44;
	v45 =	vand.u32 $0xFFFFFC00, v45  }
0x141: {  	v44 =	vor.u32 v44, v45  }
0x142: {  	v45 =	vadd.s32 v1, v44  }
0x143: {  	[tilespmem:v43+s22+$0x0] =	vst.idx.msk $0xffff, v41;
	v41 =	vor.u32 v2, v40  }
0x144: {  	v42 =	vld.idx.msk [tilespmem:v42+s17+$0x0], $0xffff;
	_ =	sdelay $0x4  }
0x145: {  	v43 =	vadd.s32 v3, v44  }
0x146: {  	[tilespmem:v45+s22+$0x0] =	vst.idx.msk $0xffff, v42;
	v42 =	vor.u32 v4, v40  }
0x147: {  	v41 =	vld.idx.msk [tilespmem:v41+s17+$0x0], $0xffff;
	_ =	sdelay $0x4  }
0x148: {  	v45 =	vadd.s32 v5, v44  }
0x149: {  	[tilespmem:v43+s22+$0x0] =	vst.idx.msk $0xffff, v41;
	v41 =	vor.u32 v6, v40  }
0x14a: {  	v42 =	vld.idx.msk [tilespmem:v42+s17+$0x0], $0xffff;
	_ =	sdelay $0x2  }
.Ltmp0:
0x14b: {  	(pc) =	sbr.rel @p0 .LBB2_2-.Ltmp0, $4  }
0x14c: {  	_ = 	snop  }
0x14d: {  	v40 =	vadd.s32 v7, v44  }
0x14e: {  	[tilespmem:v45+s22+$0x0] =	vst.idx.msk $0xffff, v42  }
0x14f: {  	v41 =	vld.idx.msk [tilespmem:v41+s17+$0x0], $0xffff  }
0x150: {  	_ =	sdelay $0x3  }
0x151: {  	[tilespmem:v40+s22+$0x0] =	vst.idx.msk $0xffff, v41  }
0x152: {  	v40 =	vld [tilespmem:$0x1FC];
	_ =	sdelay $0x1  }
0x153: {  	_ =	swait.ge [sflag:s21], $0x2000  }
0x154: {  	[sflag:s21] =	ssyncset.done $0x0  }
0x155: {  	[sflag:s21] =	ssyncadd.s32 $0xFFFFE000  }
0x156: {  	_ =	swait.ge [sflag:s21], $0x2000;
	v40 =	vadd.s32 $0x7F, v40  }
0x157: {  	[sflag:s21] =	ssyncset.done $0x0;
	v40 =	vand.u32 $0x7F, v40  }
0x158: {  	[sflag:s21] =	ssyncadd.s32 $0xFFFFE000;
	v51 =	vbroadcast v40, $0x0  }
0x159: {  	_ =	swait.ge [sflag:s21], $0x2000  }
0x15a: {  	[sflag:s21] =	ssyncset.done $0x0;
	v42 =	vor.u32 v8, v51  }
0x15b: {  	[sflag:s21] =	ssyncadd.s32 $0xFFFFE000  }
0x15c: {  	_ =	swait.ge [sflag:s21], $0x2000  }
0x15d: {  	[sflag:s21] =	ssyncset.done $0x0  }
0x15e: {  	[sflag:s21] =	ssyncadd.s32 $0xFFFFE000  }
0x15f: {  	v42 =	vld.idx.msk [tilespmem:v42+s17+$0x0], $0xffff  }
0x160: {  	v43 =	vor.u32 v10, v51;
	_ =	sdelay $0x3  }
0x161: {  	[tilespmem:v9+s22+$0x0] =	vst.idx.msk $0xffff, v42  }
0x162: {  	v42 =	vld.idx.msk [tilespmem:v43+s17+$0x0], $0xffff  }
0x163: {  	v52 =	vor.u32 v12, v51;
	_ =	sdelay $0x3  }
0x164: {  	[tilespmem:v11+s22+$0x0] =	vst.idx.msk $0xffff, v42  }
0x165: {  	v42 =	vld.idx.msk [tilespmem:v52+s17+$0x0], $0xffff  }
0x166: {  	v41 =	vor.u32 v14, v51;
	_ =	sdelay $0x3  }
0x167: {  	v53 =	vbroadcast v40, $0x1;
	[tilespmem:v13+s22+$0x0] =	vst.idx.msk $0xffff, v42  }
0x168: {  	v41 =	vld.idx.msk [tilespmem:v41+s17+$0x0], $0xffff  }
0x169: {  	v54 =	vor.u32 v16, v53;
	_ =	sdelay $0x3  }
0x16a: {  	[tilespmem:v15+s22+$0x0] =	vst.idx.msk $0xffff, v41  }
0x16b: {  	v41 =	vld.idx.msk [tilespmem:v54+s17+$0x0], $0xffff  }
0x16c: {  	v55 =	vor.u32 v18, v53;
	_ =	sdelay $0x3  }
0x16d: {  	[tilespmem:v17+s22+$0x0] =	vst.idx.msk $0xffff, v41  }
0x16e: {  	v41 =	vld.idx.msk [tilespmem:v55+s17+$0x0], $0xffff  }
0x16f: {  	v56 =	vor.u32 v20, v53;
	_ =	sdelay $0x3  }
0x170: {  	[tilespmem:v19+s22+$0x0] =	vst.idx.msk $0xffff, v41  }
0x171: {  	v41 =	vld.idx.msk [tilespmem:v56+s17+$0x0], $0xffff  }
0x172: {  	v42 =	vor.u32 v22, v53;
	_ =	sdelay $0x3  }
0x173: {  	v57 =	vbroadcast v40, $0x2;
	[tilespmem:v21+s22+$0x0] =	vst.idx.msk $0xffff, v41  }
0x174: {  	v42 =	vld.idx.msk [tilespmem:v42+s17+$0x0], $0xffff  }
0x175: {  	v58 =	vor.u32 v24, v57;
	_ =	sdelay $0x3  }
0x176: {  	[tilespmem:v23+s22+$0x0] =	vst.idx.msk $0xffff, v42  }
0x177: {  	v42 =	vld.idx.msk [tilespmem:v58+s17+$0x0], $0xffff  }
0x178: {  	v59 =	vor.u32 v26, v57;
	_ =	sdelay $0x3  }
0x179: {  	[tilespmem:v25+s22+$0x0] =	vst.idx.msk $0xffff, v42  }
0x17a: {  	v42 =	vld.idx.msk [tilespmem:v59+s17+$0x0], $0xffff  }
0x17b: {  	v60 =	vor.u32 v28, v57;
	_ =	sdelay $0x3  }
0x17c: {  	[tilespmem:v27+s22+$0x0] =	vst.idx.msk $0xffff, v42  }
0x17d: {  	v42 =	vld.idx.msk [tilespmem:v60+s17+$0x0], $0xffff  }
0x17e: {  	v41 =	vor.u32 v30, v57;
	_ =	sdelay $0x3  }
0x17f: {  	v40 =	vbroadcast v40, $0x3;
	[tilespmem:v29+s22+$0x0] =	vst.idx.msk $0xffff, v42  }
0x180: {  	v41 =	vld.idx.msk [tilespmem:v41+s17+$0x0], $0xffff  }
0x181: {  	v61 =	vor.u32 v32, v40;
	_ =	sdelay $0x3  }
0x182: {  	[tilespmem:v31+s22+$0x0] =	vst.idx.msk $0xffff, v41  }
0x183: {  	v41 =	vld.idx.msk [tilespmem:v61+s17+$0x0], $0xffff  }
0x184: {  	v62 =	vor.u32 v34, v40;
	_ =	sdelay $0x3  }
0x185: {  	[tilespmem:v33+s22+$0x0] =	vst.idx.msk $0xffff, v41  }
0x186: {  	v41 =	vld.idx.msk [tilespmem:v62+s17+$0x0], $0xffff  }
0x187: {  	v63 =	vor.u32 v36, v40;
	_ =	sdelay $0x3  }
0x188: {  	[tilespmem:v35+s22+$0x0] =	vst.idx.msk $0xffff, v41  }
0x189: {  	v41 =	vld.idx.msk [tilespmem:v63+s17+$0x0], $0xffff  }
0x18a: {  	v40 =	vor.u32 v38, v40;
	_ =	sdelay $0x3  }
0x18b: {  	[tilespmem:v37+s22+$0x0] =	vst.idx.msk $0xffff, v41  }
0x18c: {  	v40 =	vld.idx.msk [tilespmem:v40+s17+$0x0], $0xffff;
	_ =	sdelay $0x4  }
0x18d: {  	[tilespmem:v39+s22+$0x0] =	vst.idx.msk $0xffff, v40  }
0x18e: {  	[hbm4b:s4+s3] =	stream.linear.scatter [tilespmem:s22], [sflag:$0x2], $0x1000, $0x38;
	[tilespmem:$0x18280] =	vst v63  }
0x18f: {  	_ =	swait.ge [sflag:s14], $0x1000  }
0x190: {  	[sflag:s14] =	ssyncset.done $0x0  }
0x191: {  	s1 =	simm.s32 $0x11280;
	[sflag:s14] =	ssyncadd.s32 $0xFFFFF000  }
0x192: {  	[hbm4b:s6+s3] =	stream.linear.scatter [tilespmem:s1], [sflag:$0x2], $0x1000, $0x38;
	[tilespmem:$0x18280] =	vst v63  }
0x193: {  	_ =	swait.ge [sflag:s14], $0x1000  }
0x194: {  	[sflag:s14] =	ssyncset.done $0x0  }
0x195: {  	s24 =	simm.s32 $0x12280;
	[sflag:s14] =	ssyncadd.s32 $0xFFFFF000  }
0x196: {  	[hbm4b:s7+s3] =	stream.linear.scatter [tilespmem:s24], [sflag:$0x2], $0x1000, $0x38;
	[tilespmem:$0x18280] =	vst v63  }
0x197: {  	_ =	swait.ge [sflag:s14], $0x1000  }
0x198: {  	[sflag:s14] =	ssyncset.done $0x0  }
0x199: {  	s25 =	simm.s32 $0x13280;
	[sflag:s14] =	ssyncadd.s32 $0xFFFFF000  }
0x19a: {  	[hbm4b:s8+s3] =	stream.linear.scatter [tilespmem:s25], [sflag:$0x2], $0x1000, $0x38;
	[tilespmem:$0x18280] =	vst v63  }
0x19b: {  	_ =	swait.ge [sflag:s14], $0x1000  }
0x19c: {  	[sflag:s14] =	ssyncset.done $0x0  }
0x19d: {  	s26 =	simm.s32 $0x14280;
	[sflag:s14] =	ssyncadd.s32 $0xFFFFF000  }
0x19e: {  	[hbm4b:s9+s3] =	stream.linear.scatter [tilespmem:s26], [sflag:$0x2], $0x1000, $0x38;
	[tilespmem:$0x18280] =	vst v63  }
0x19f: {  	_ =	swait.ge [sflag:s14], $0x1000  }
0x1a0: {  	[sflag:s14] =	ssyncset.done $0x0  }
0x1a1: {  	s28 =	simm.s32 $0x15280;
	[sflag:s14] =	ssyncadd.s32 $0xFFFFF000  }
0x1a2: {  	[hbm4b:s10+s3] =	stream.linear.scatter [tilespmem:s28], [sflag:$0x2], $0x1000, $0x38;
	[tilespmem:$0x18280] =	vst v63  }
0x1a3: {  	_ =	swait.ge [sflag:s14], $0x1000  }
0x1a4: {  	[sflag:s14] =	ssyncset.done $0x0  }
0x1a5: {  	s29 =	simm.s32 $0x16280;
	[sflag:s14] =	ssyncadd.s32 $0xFFFFF000  }
0x1a6: {  	[hbm4b:s11+s3] =	stream.linear.scatter [tilespmem:s29], [sflag:$0x2], $0x1000, $0x38;
	[tilespmem:$0x18280] =	vst v63  }
0x1a7: {  	s31 =	sadd.s32 $0x1, s31;
	_ =	swait.ge [sflag:s14], $0x1000  }
0x1a8: {  	p0 =	sne.s32 s31, s13;
	[sflag:s14] =	ssyncset.done $0x0  }
.Ltmp1:
0x1a9: {  	[sflag:s14] =	ssyncadd.s32 $0xFFFFF000;
	(pc) =	sbr.rel @p0 .LBB2_1-.Ltmp1, $4  }
0x1aa: {  	[hbm4b:s12+s3] =	stream.linear.scatter [tilespmem:s30], [sflag:$0x2], $0x1000, $0x38;
	[tilespmem:$0x18280] =	vst v63  }
0x1ab: {  	_ =	swait.ge [sflag:s14], $0x1000  }
0x1ac: {  	[sflag:s14] =	ssyncset.done $0x0  }
0x1ad: {  	[sflag:s14] =	ssyncadd.s32 $0xFFFFF000  }
0x1ae: {  	_ =	sfence.sel $0x180000  }
0x1af: {  	[bflag:$0x0] =	sbarrier.arrive $0xFFFF  }
0x1b0: {  	_ =	strace $0x90000047  }
0x1b1: {  	s0 =	stileid.u32;
	[bflag:$0x2] =	sbarrier.arrive $0xFFFF  }
0x1b2: {  	p0 =	sne.s32 s0, $0x0;
	s0 =	rddreg [dreg:$0x3]  }
0x1b3: {  	s0 =	sadd.s32 @!p0 $0x100000, s0  }
0x1b4: {  	[sflag:s0] =	ssyncadd.tile.s32 @!p0 $0x1;
	_ =	shalt  }
.Lfunc_end2:
_tile_overlayer_lowered:
.L_overlay_start_2:
0x1b5: {  	(tag) =	ssettag $0x2  }
0x1b6: {  	s0 =	rddreg [dreg:$0x0];
	s2 =	stileid.u32  }
0x1b7: {  	s1 =	rddreg [dreg:$0x1];
	p0 =	sne.s32 s2, $0x0  }
0x1b8: {  	s3 =	rddreg [dreg:$0x2];
	[bflag:$0x3] =	sbarrier.arrive $0xFFFF;
	s2 =	simm.s32 @!p0 $0x1C02  }
0x1b9: {  	[timem:s3], [sflag:s2] =	dma.local @!p0 [hbm:s0], s1  }
0x1ba: {  	s0 =	simm.s32 @!p0 $0x2  }
0x1bb: {  	_ =	swait.ge @!p0 [sflag:s0], s1  }
0x1bc: {  	s1 =	ssub.s32 @!p0 $0x0, s1;
	[sflag:s0] =	ssyncset.done @!p0 $0x0  }
0x1bd: {  	[sflag:s0] =	ssyncadd.s32 @!p0 s1  }
0x1be: {  	[bflag:$0x3] =	sbarrier.arrive $0xFFFF  }
0x1bf: {  	_ =	shalt  }

</sc_bundles>
